<compile_context>
chip_gen: v7x
topology: tpu7x:2x2x1
jax: 0.10.2.dev20260603
libtpu: 0.0.44.dev20260713+nightly
codegen_flags: <defaults>
</compile_context>

<pallas_src>
import functools

import jax
import jax.numpy as jnp
from jax import lax
from jax.experimental import pallas as pl
from jax.experimental.pallas import tpu as pltpu
from jax.experimental.pallas import tpu_sc as plsc

N = 320000
D = 128
S = 10000
NC = 2
NS = 16
NW = NC * NS
RT = N // NW
C = 96
NCHUNK = RT // C
TAIL = RT - NCHUNK * C
WB = 624
WLAST = S - WB * (NS - 1)
CW = 16

_LANES = 16


_sc_mesh = plsc.VectorSubcoreMesh(
    core_axis_name="c", subcore_axis_name="s", num_cores=NC, num_subcores=NS
)


@functools.partial(
    pl.kernel,
    out_type=(
        jax.ShapeDtypeStruct((NC, S, D), jnp.float32),
        jax.ShapeDtypeStruct((NC, S, CW), jnp.float32),
    ),
    mesh=_sc_mesh,
    scratch_types=[
        pltpu.VMEM_SHARED((S, D), jnp.float32),
        pltpu.VMEM_SHARED((S, CW), jnp.float32),
        pltpu.VMEM((C, D), jnp.float32),
        pltpu.VMEM((C, D), jnp.float32),
        pltpu.VMEM((C, D), jnp.float32),
        pltpu.VMEM((C,), jnp.int32),
        pltpu.VMEM((C,), jnp.int32),
        pltpu.VMEM((C,), jnp.int32),
        pltpu.VMEM((C, CW), jnp.float32),
        pltpu.VMEM((C, CW), jnp.float32),
        pltpu.VMEM((TAIL,), jnp.int32),
        pltpu.SemaphoreType.DMA,
        pltpu.SemaphoreType.DMA,
        pltpu.SemaphoreType.DMA,
        pltpu.SemaphoreType.DMA,
        pltpu.SemaphoreType.DMA,
        pltpu.SemaphoreType.DMA,
        pltpu.SemaphoreType.DMA,
        pltpu.SemaphoreType.DMA,
        pltpu.SemaphoreType.DMA,
        pltpu.SemaphoreType.DMA,
        pltpu.SemaphoreType.DMA,
        pltpu.SemaphoreType.DMA,
        pltpu.SemaphoreType.DMA,
    ],
    compiler_params=pltpu.CompilerParams(use_tc_tiling_on_sc=False),
)
def _sc_aggregate(x_hbm, ids_hbm, psum_hbm, pcnt_hbm,
                  acc_sum, acc_cnt, xb0, xb1, xb2, ib0, ib1, ib2,
                  ones, zc, it,
                  gx0, gx1, gx2, gi0, gi1, gi2,
                  sx0, sx1, sx2, sc0, sc1, sc2, wsem):
    cid = lax.axis_index("c")
    sid = lax.axis_index("s")
    row0 = (cid * NS + sid) * RT
    base = sid * WB

    xb = (xb0, xb1, xb2)
    ib = (ib0, ib1, ib2)
    gx = (gx0, gx1, gx2)
    gi = (gi0, gi1, gi2)
    sx = (sx0, sx1, sx2)
    sc = (sc0, sc1, sc2)

    def fire_gather(chunk, j):
        r = row0 + chunk * C
        pltpu.async_copy(x_hbm.at[pl.ds(r, C)], xb[j], gx[j])
        pltpu.async_copy(ids_hbm.at[pl.ds(r, C)], ib[j], gi[j])

    def wait_gather(chunk, j):
        r = row0 + chunk * C
        pltpu.make_async_copy(x_hbm.at[pl.ds(r, C)], xb[j], gx[j]).wait()
        pltpu.make_async_copy(ids_hbm.at[pl.ds(r, C)], ib[j], gi[j]).wait()

    def fire_scatter(j):
        pltpu.async_copy(xb[j], acc_sum.at[ib[j]], sx[j], add=True)
        pltpu.async_copy(ones, acc_cnt.at[ib[j]], sc[j], add=True)

    def wait_scatter(j):
        pltpu.make_async_copy(xb[j], acc_sum.at[ib[j]], sx[j]).wait()
        pltpu.make_async_copy(ones, acc_cnt.at[ib[j]], sc[j]).wait()

    fire_gather(1, 1)
    fire_gather(2, 2)

    zeros16 = jnp.zeros((_LANES,), jnp.float32)
    ones16 = jnp.ones((_LANES,), jnp.float32)

    @pl.loop(0, C)
    def _(r):
        for l in range(D // _LANES):
            xb0[r, pl.ds(l * _LANES, _LANES)] = zeros16
        zc[r, pl.ds(0, CW)] = zeros16
        ones[r, pl.ds(0, CW)] = ones16

    def zero_region(nfull, rem):
        cps = []
        for k in range(nfull):
            cps.append(pltpu.async_copy(
                xb0, acc_sum.at[pl.ds(base + k * C, C)], wsem))
            cps.append(pltpu.async_copy(
                zc, acc_cnt.at[pl.ds(base + k * C, C)], wsem))
        if rem:
            cps.append(pltpu.async_copy(
                xb0.at[pl.ds(0, rem)],
                acc_sum.at[pl.ds(base + nfull * C, rem)], wsem))
            cps.append(pltpu.async_copy(
                zc.at[pl.ds(0, rem)],
                acc_cnt.at[pl.ds(base + nfull * C, rem)], wsem))
        for cp in cps:
            cp.wait()

    @pl.when(sid < NS - 1)
    def _():
        zero_region(WB // C, WB % C)

    @pl.when(sid == NS - 1)
    def _():
        zero_region(WLAST // C, WLAST % C)

    fire_gather(0, 0)

    plsc.subcore_barrier()


    wait_gather(0, 0)
    fire_scatter(0)
    wait_gather(1, 1)
    fire_scatter(1)
    wait_scatter(0)
    fire_gather(3, 0)
    wait_gather(2, 2)
    fire_scatter(2)
    wait_scatter(1)
    fire_gather(4, 1)

    @pl.loop(0, (NCHUNK - 5) // 3)
    def _(k):
        c0 = 3 + 3 * k
        for j in range(3):
            cc = c0 + j
            wait_gather(cc, j)
            fire_scatter(j)
            wait_scatter((j + 2) % 3)
            fire_gather(cc + 2, (j + 2) % 3)

    j2 = (NCHUNK - 2) % 3
    j1 = (NCHUNK - 1) % 3
    wait_gather(NCHUNK - 2, j2)
    fire_scatter(j2)
    wait_scatter((j2 + 2) % 3)
    wait_gather(NCHUNK - 1, j1)
    fire_scatter(j1)
    wait_scatter(j2)
    wait_scatter(j1)

    rt = row0 + NCHUNK * C
    pltpu.sync_copy(x_hbm.at[pl.ds(rt, TAIL)], xb0.at[pl.ds(0, TAIL)])
    pltpu.sync_copy(ids_hbm.at[pl.ds(rt, TAIL)], it)
    pltpu.sync_copy(xb0.at[pl.ds(0, TAIL)], acc_sum.at[it], add=True)
    pltpu.sync_copy(ones.at[pl.ds(0, TAIL)], acc_cnt.at[it], add=True)

    plsc.subcore_barrier()

    def write_out(nrows):
        w1 = pltpu.async_copy(
            acc_sum.at[pl.ds(base, nrows)],
            psum_hbm.at[cid, pl.ds(base, nrows)], wsem)
        w2 = pltpu.async_copy(
            acc_cnt.at[pl.ds(base, nrows)],
            pcnt_hbm.at[cid, pl.ds(base, nrows)], wsem)
        w1.wait()
        w2.wait()

    @pl.when(sid < NS - 1)
    def _():
        write_out(WB)

    @pl.when(sid == NS - 1)
    def _():
        write_out(WLAST)


_BLK = 1000


def _combine_body(ps_ref, pc_ref, o_ref):
    sums = ps_ref[0] + ps_ref[1]
    cnts = pc_ref[0] + pc_ref[1]
    cnt = jnp.maximum(cnts[:, 0:1], 1.0)
    o_ref[...] = sums / cnt


_combine = pl.pallas_call(
    _combine_body,
    grid=(S // _BLK,),
    in_specs=[
        pl.BlockSpec((NC, _BLK, D), lambda i: (0, i, 0)),
        pl.BlockSpec((NC, _BLK, CW), lambda i: (0, i, 0)),
    ],
    out_specs=pl.BlockSpec((_BLK, D), lambda i: (i, 0)),
    out_shape=jax.ShapeDtypeStruct((S, D), jnp.float32),
)


def kernel(x, segment_ids):
    psum, pcnt = _sc_aggregate(x, segment_ids)
    return _combine(psum, pcnt)

# --- scband reference (transcript-rebuilt; emitter-appended) ---
"""Pipeline reference for scband-global-aggregator-12128987643929 (READ-ONLY COPY).

The authoritative reference and input builder live on the scoring server;
editing this copy changes nothing except your own understanding.
"""

import jax, jax.numpy as jnp
import numpy as np

N = 320000
D = 128
NUM_SEGMENTS = 10000

def setup_inputs(seed: int = 0) -> dict:
    key = jax.random.key(seed)
    k1, k2 = jax.random.split(key)
    x = jax.random.normal(k1, (N, D), dtype=jnp.float32)
    segment_ids = jnp.sort(jax.random.randint(k2, (N,), 0, NUM_SEGMENTS, dtype=jnp.int32))
    return {"x": x, "segment_ids": segment_ids}

def reference(x, segment_ids):
    # GlobalAggregator with args.aggr == 'mean': x = scatter_mean(x, data.batch, dim=0)
    sums = jax.ops.segment_sum(x, segment_ids, num_segments=NUM_SEGMENTS)
    counts = jax.ops.segment_sum(jnp.ones((x.shape[0],), dtype=x.dtype), segment_ids, num_segments=NUM_SEGMENTS)
    counts = jnp.clip(counts, 1.0)
    return sums / counts[:, None]

if __name__ == "__main__":
    import jax
    _d = setup_inputs()
    print(jax.jit(kernel)(*tuple(_d.values())))

</pallas_src>

<mosaic_0001>
#map = affine_map<(d0, d1) -> (0, 0)>
#map1 = affine_map<(d0, d1) -> (0)>
#map2 = affine_map<(d0, d1) -> (0, 0, 0)>
module attributes {stable_mosaic.version = 14 : i64} {
  func.func @_sc_aggregate(%arg0: i32, %arg1: i32, %arg2: memref<320000x128xf32, #tpu.memory_space<hbm>>, %arg3: memref<320000xi32, #tpu.memory_space<hbm>>, %arg4: memref<2x10000x128xf32, #tpu.memory_space<hbm>>, %arg5: memref<2x10000x16xf32, #tpu.memory_space<hbm>>, %arg6: memref<10000x128xf32, #tpu.memory_space<vmem_shared>>, %arg7: memref<10000x16xf32, #tpu.memory_space<vmem_shared>>, %arg8: memref<96x128xf32, #tpu.memory_space<vmem>>, %arg9: memref<96x128xf32, #tpu.memory_space<vmem>>, %arg10: memref<96x128xf32, #tpu.memory_space<vmem>>, %arg11: memref<96xi32, #tpu.memory_space<vmem>>, %arg12: memref<96xi32, #tpu.memory_space<vmem>>, %arg13: memref<96xi32, #tpu.memory_space<vmem>>, %arg14: memref<96x16xf32, #tpu.memory_space<vmem>>, %arg15: memref<96x16xf32, #tpu.memory_space<vmem>>, %arg16: memref<16xi32, #tpu.memory_space<vmem>>, %arg17: memref<!tpu.dma_semaphore, #tpu.memory_space<semaphore_mem>>, %arg18: memref<!tpu.dma_semaphore, #tpu.memory_space<semaphore_mem>>, %arg19: memref<!tpu.dma_semaphore, #tpu.memory_space<semaphore_mem>>, %arg20: memref<!tpu.dma_semaphore, #tpu.memory_space<semaphore_mem>>, %arg21: memref<!tpu.dma_semaphore, #tpu.memory_space<semaphore_mem>>, %arg22: memref<!tpu.dma_semaphore, #tpu.memory_space<semaphore_mem>>, %arg23: memref<!tpu.dma_semaphore, #tpu.memory_space<semaphore_mem>>, %arg24: memref<!tpu.dma_semaphore, #tpu.memory_space<semaphore_mem>>, %arg25: memref<!tpu.dma_semaphore, #tpu.memory_space<semaphore_mem>>, %arg26: memref<!tpu.dma_semaphore, #tpu.memory_space<semaphore_mem>>, %arg27: memref<!tpu.dma_semaphore, #tpu.memory_space<semaphore_mem>>, %arg28: memref<!tpu.dma_semaphore, #tpu.memory_space<semaphore_mem>>, %arg29: memref<!tpu.dma_semaphore, #tpu.memory_space<semaphore_mem>>) attributes {dimension_semantics = [#tpu.dimension_semantics<core_parallel>, #tpu.dimension_semantics<subcore_parallel>], iteration_bounds = array<i64: 2, 16>, scalar_prefetch = 0 : i64, scratch_operands = 24 : i64, tpu.core_type = #tpu.core_type<sc_vector_subcore>, window_params = [{transform_indices = #map}, {transform_indices = #map1}, {transform_indices = #map2}, {transform_indices = #map2}]} {
    %mul3A = arith.constant 16 : i32
    %mul3A_0 = arith.muli %arg0, %mul3A : i32
    %add3A = arith.addi %mul3A_0, %arg1 : i32
    %mul3A_1 = arith.constant 10000 : i32
    %mul3A_2 = arith.muli %add3A, %mul3A_1 : i32
    %mul3A_3 = arith.constant 624 : i32
    %mul3A_4 = arith.muli %arg1, %mul3A_3 : i32
    %add3A_5 = arith.constant 96 : i32
    %add3A_6 = arith.addi %mul3A_2, %add3A_5 : i32
    %dma_start3A = arith.constant 0 : i32
    %dma_start3A_7 = tpu.memref_slice %arg2[%add3A_6, %dma_start3A] : memref<320000x128xf32, #tpu.memory_space<hbm>> -> memref<96x128xf32, #tpu.memory_space<hbm>>
    %dma_start3A_8 = arith.constant 0 : i32
    %dma_start3A_9 = tpu.memref_slice %arg2[%add3A_6, %dma_start3A_8] : memref<320000x128xf32, #tpu.memory_space<hbm>> -> memref<96x128xf32, #tpu.memory_space<hbm>>
    tpu.enqueue_dma source(%dma_start3A_9 : memref<96x128xf32, #tpu.memory_space<hbm>>) target(%arg9 : memref<96x128xf32, #tpu.memory_space<vmem>>) target_semaphore(%arg18 : memref<!tpu.dma_semaphore, #tpu.memory_space<semaphore_mem>>)
    %dma_start3A_10 = tpu.memref_slice %arg3[%add3A_6] : memref<320000xi32, #tpu.memory_space<hbm>> -> memref<96xi32, #tpu.memory_space<hbm>>
    %dma_start3A_11 = tpu.memref_slice %arg3[%add3A_6] : memref<320000xi32, #tpu.memory_space<hbm>> -> memref<96xi32, #tpu.memory_space<hbm>>
    tpu.enqueue_dma source(%dma_start3A_11 : memref<96xi32, #tpu.memory_space<hbm>>) target(%arg12 : memref<96xi32, #tpu.memory_space<vmem>>) target_semaphore(%arg21 : memref<!tpu.dma_semaphore, #tpu.memory_space<semaphore_mem>>)
    %add3A_12 = arith.constant 192 : i32
    %add3A_13 = arith.addi %mul3A_2, %add3A_12 : i32
    %dma_start3A_14 = arith.constant 0 : i32
    %dma_start3A_15 = tpu.memref_slice %arg2[%add3A_13, %dma_start3A_14] : memref<320000x128xf32, #tpu.memory_space<hbm>> -> memref<96x128xf32, #tpu.memory_space<hbm>>
    %dma_start3A_16 = arith.constant 0 : i32
    %dma_start3A_17 = tpu.memref_slice %arg2[%add3A_13, %dma_start3A_16] : memref<320000x128xf32, #tpu.memory_space<hbm>> -> memref<96x128xf32, #tpu.memory_space<hbm>>
    tpu.enqueue_dma source(%dma_start3A_17 : memref<96x128xf32, #tpu.memory_space<hbm>>) target(%arg10 : memref<96x128xf32, #tpu.memory_space<vmem>>) target_semaphore(%arg19 : memref<!tpu.dma_semaphore, #tpu.memory_space<semaphore_mem>>)
    %dma_start3A_18 = tpu.memref_slice %arg3[%add3A_13] : memref<320000xi32, #tpu.memory_space<hbm>> -> memref<96xi32, #tpu.memory_space<hbm>>
    %dma_start3A_19 = tpu.memref_slice %arg3[%add3A_13] : memref<320000xi32, #tpu.memory_space<hbm>> -> memref<96xi32, #tpu.memory_space<hbm>>
    tpu.enqueue_dma source(%dma_start3A_19 : memref<96xi32, #tpu.memory_space<hbm>>) target(%arg13 : memref<96xi32, #tpu.memory_space<vmem>>) target_semaphore(%arg22 : memref<!tpu.dma_semaphore, #tpu.memory_space<semaphore_mem>>)
    %broadcast_in_dim3A = arith.constant 0.000000e+00 : f32
    %broadcast_in_dim3A_20 = vector.broadcast %broadcast_in_dim3A : f32 to vector<16xf32>
    %broadcast_in_dim3A_21 = arith.constant 1.000000e+00 : f32
    %broadcast_in_dim3A_22 = vector.broadcast %broadcast_in_dim3A_21 : f32 to vector<16xf32>
    %scan3A = arith.constant 0 : i32
    %scan3A_23 = arith.constant 96 : i32
    %scan3A_24 = arith.addi %scan3A, %scan3A_23 : i32
    %scan3A_25 = arith.constant 1 : i32
    scf.for %scan3A_174 = %scan3A to %scan3A_24 step %scan3A_25  : i32 {
      %mul3A_175 = arith.constant 1 : i32
      %mul3A_176 = arith.muli %scan3A_174, %mul3A_175 : i32
      %add3A_177 = arith.constant 0 : i32
      %add3A_178 = arith.addi %add3A_177, %mul3A_176 : i32
      %swap3A = arith.index_cast %add3A_178 : i32 to index
      %swap3A_179 = arith.constant 0 : index
      %swap3A_180 = tpu.vector_load %arg8[%swap3A, %swap3A_179] {strides = array<i32>} : memref<96x128xf32, #tpu.memory_space<vmem>>, vector<1x16xf32>,
      %swap3A_181 = vector.shape_cast %swap3A_180 : vector<1x16xf32> to vector<16xf32>
      %swap3A_182 = vector.shape_cast %broadcast_in_dim3A_20 : vector<16xf32> to vector<1x16xf32>
      tpu.vector_store %arg8[%swap3A, %swap3A_179], %swap3A_182 {strides = array<i32>} : memref<96x128xf32, #tpu.memory_space<vmem>>, vector<1x16xf32>,
      %swap3A_183 = arith.index_cast %add3A_178 : i32 to index
      %swap3A_184 = arith.constant 16 : index
      %swap3A_185 = tpu.vector_load %arg8[%swap3A_183, %swap3A_184] {strides = array<i32>} : memref<96x128xf32, #tpu.memory_space<vmem>>, vector<1x16xf32>,
      %swap3A_186 = vector.shape_cast %swap3A_185 : vector<1x16xf32> to vector<16xf32>
      %swap3A_187 = vector.shape_cast %broadcast_in_dim3A_20 : vector<16xf32> to vector<1x16xf32>
      tpu.vector_store %arg8[%swap3A_183, %swap3A_184], %swap3A_187 {strides = array<i32>} : memref<96x128xf32, #tpu.memory_space<vmem>>, vector<1x16xf32>,
      %swap3A_188 = arith.index_cast %add3A_178 : i32 to index
      %swap3A_189 = arith.constant 32 : index
      %swap3A_190 = tpu.vector_load %arg8[%swap3A_188, %swap3A_189] {strides = array<i32>} : memref<96x128xf32, #tpu.memory_space<vmem>>, vector<1x16xf32>,
      %swap3A_191 = vector.shape_cast %swap3A_190 : vector<1x16xf32> to vector<16xf32>
      %swap3A_192 = vector.shape_cast %broadcast_in_dim3A_20 : vector<16xf32> to vector<1x16xf32>
      tpu.vector_store %arg8[%swap3A_188, %swap3A_189], %swap3A_192 {strides = array<i32>} : memref<96x128xf32, #tpu.memory_space<vmem>>, vector<1x16xf32>,
      %swap3A_193 = arith.index_cast %add3A_178 : i32 to index
      %swap3A_194 = arith.constant 48 : index
      %swap3A_195 = tpu.vector_load %arg8[%swap3A_193, %swap3A_194] {strides = array<i32>} : memref<96x128xf32, #tpu.memory_space<vmem>>, vector<1x16xf32>,
      %swap3A_196 = vector.shape_cast %swap3A_195 : vector<1x16xf32> to vector<16xf32>
      %swap3A_197 = vector.shape_cast %broadcast_in_dim3A_20 : vector<16xf32> to vector<1x16xf32>
      tpu.vector_store %arg8[%swap3A_193, %swap3A_194], %swap3A_197 {strides = array<i32>} : memref<96x128xf32, #tpu.memory_space<vmem>>, vector<1x16xf32>,
      %swap3A_198 = arith.index_cast %add3A_178 : i32 to index
      %swap3A_199 = arith.constant 64 : index
      %swap3A_200 = tpu.vector_load %arg8[%swap3A_198, %swap3A_199] {strides = array<i32>} : memref<96x128xf32, #tpu.memory_space<vmem>>, vector<1x16xf32>,
      %swap3A_201 = vector.shape_cast %swap3A_200 : vector<1x16xf32> to vector<16xf32>
      %swap3A_202 = vector.shape_cast %broadcast_in_dim3A_20 : vector<16xf32> to vector<1x16xf32>
      tpu.vector_store %arg8[%swap3A_198, %swap3A_199], %swap3A_202 {strides = array<i32>} : memref<96x128xf32, #tpu.memory_space<vmem>>, vector<1x16xf32>,
      %swap3A_203 = arith.index_cast %add3A_178 : i32 to index
      %swap3A_204 = arith.constant 80 : index
      %swap3A_205 = tpu.vector_load %arg8[%swap3A_203, %swap3A_204] {strides = array<i32>} : memref<96x128xf32, #tpu.memory_space<vmem>>, vector<1x16xf32>,
      %swap3A_206 = vector.shape_cast %swap3A_205 : vector<1x16xf32> to vector<16xf32>
      %swap3A_207 = vector.shape_cast %broadcast_in_dim3A_20 : vector<16xf32> to vector<1x16xf32>
      tpu.vector_store %arg8[%swap3A_203, %swap3A_204], %swap3A_207 {strides = array<i32>} : memref<96x128xf32, #tpu.memory_space<vmem>>, vector<1x16xf32>,
      %swap3A_208 = arith.index_cast %add3A_178 : i32 to index
      %swap3A_209 = arith.constant 96 : index
      %swap3A_210 = tpu.vector_load %arg8[%swap3A_208, %swap3A_209] {strides = array<i32>} : memref<96x128xf32, #tpu.memory_space<vmem>>, vector<1x16xf32>,
      %swap3A_211 = vector.shape_cast %swap3A_210 : vector<1x16xf32> to vector<16xf32>
      %swap3A_212 = vector.shape_cast %broadcast_in_dim3A_20 : vector<16xf32> to vector<1x16xf32>
      tpu.vector_store %arg8[%swap3A_208, %swap3A_209], %swap3A_212 {strides = array<i32>} : memref<96x128xf32, #tpu.memory_space<vmem>>, vector<1x16xf32>,
      %swap3A_213 = arith.index_cast %add3A_178 : i32 to index
      %swap3A_214 = arith.constant 112 : index
      %swap3A_215 = tpu.vector_load %arg8[%swap3A_213, %swap3A_214] {strides = array<i32>} : memref<96x128xf32, #tpu.memory_space<vmem>>, vector<1x16xf32>,
      %swap3A_216 = vector.shape_cast %swap3A_215 : vector<1x16xf32> to vector<16xf32>
      %swap3A_217 = vector.shape_cast %broadcast_in_dim3A_20 : vector<16xf32> to vector<1x16xf32>
      tpu.vector_store %arg8[%swap3A_213, %swap3A_214], %swap3A_217 {strides = array<i32>} : memref<96x128xf32, #tpu.memory_space<vmem>>, vector<1x16xf32>,
      %swap3A_218 = arith.index_cast %add3A_178 : i32 to index
      %swap3A_219 = arith.constant 0 : index
      %swap3A_220 = tpu.vector_load %arg15[%swap3A_218, %swap3A_219] {strides = array<i32>} : memref<96x16xf32, #tpu.memory_space<vmem>>, vector<1x16xf32>,
      %swap3A_221 = vector.shape_cast %swap3A_220 : vector<1x16xf32> to vector<16xf32>
      %swap3A_222 = vector.shape_cast %broadcast_in_dim3A_20 : vector<16xf32> to vector<1x16xf32>
      tpu.vector_store %arg15[%swap3A_218, %swap3A_219], %swap3A_222 {strides = array<i32>} : memref<96x16xf32, #tpu.memory_space<vmem>>, vector<1x16xf32>,
      %swap3A_223 = arith.index_cast %add3A_178 : i32 to index
      %swap3A_224 = arith.constant 0 : index
      %swap3A_225 = tpu.vector_load %arg14[%swap3A_223, %swap3A_224] {strides = array<i32>} : memref<96x16xf32, #tpu.memory_space<vmem>>, vector<1x16xf32>,
      %swap3A_226 = vector.shape_cast %swap3A_225 : vector<1x16xf32> to vector<16xf32>
      %swap3A_227 = vector.shape_cast %broadcast_in_dim3A_22 : vector<16xf32> to vector<1x16xf32>
      tpu.vector_store %arg14[%swap3A_223, %swap3A_224], %swap3A_227 {strides = array<i32>} : memref<96x16xf32, #tpu.memory_space<vmem>>, vector<1x16xf32>,
    }
    %scan3A_26 = arith.constant 96 : i32
    %lt3A = arith.constant 15 : i32
    %lt3A_27 = arith.cmpi slt, %arg1, %lt3A : i32
    %convert_element_type3A = arith.extui %lt3A_27 : i1 to i32
    %cond3A = arith.constant 0 : i32
    %cond3A_28 = arith.cmpi ne, %convert_element_type3A, %cond3A : i32
    scf.if %cond3A_28 {
      %add3A_174 = arith.constant 0 : i32
      %add3A_175 = arith.addi %mul3A_4, %add3A_174 : i32
      %dma_start3A_176 = arith.constant 0 : i32
      %dma_start3A_177 = tpu.memref_slice %arg6[%add3A_175, %dma_start3A_176] : memref<10000x128xf32, #tpu.memory_space<vmem_shared>> -> memref<96x128xf32, #tpu.memory_space<vmem_shared>>
      %dma_start3A_178 = arith.constant 0 : i32
      %dma_start3A_179 = tpu.memref_slice %arg6[%add3A_175, %dma_start3A_178] : memref<10000x128xf32, #tpu.memory_space<vmem_shared>> -> memref<96x128xf32, #tpu.memory_space<vmem_shared>>
      tpu.enqueue_dma source(%arg8 : memref<96x128xf32, #tpu.memory_space<vmem>>) target(%dma_start3A_179 : memref<96x128xf32, #tpu.memory_space<vmem_shared>>) target_semaphore(%arg29 : memref<!tpu.dma_semaphore, #tpu.memory_space<semaphore_mem>>)
      %add3A_180 = arith.constant 0 : i32
      %add3A_181 = arith.addi %mul3A_4, %add3A_180 : i32
      %dma_start3A_182 = arith.constant 0 : i32
      %dma_start3A_183 = tpu.memref_slice %arg7[%add3A_181, %dma_start3A_182] : memref<10000x16xf32, #tpu.memory_space<vmem_shared>> -> memref<96x16xf32, #tpu.memory_space<vmem_shared>>
      %dma_start3A_184 = arith.constant 0 : i32
      %dma_start3A_185 = tpu.memref_slice %arg7[%add3A_181, %dma_start3A_184] : memref<10000x16xf32, #tpu.memory_space<vmem_shared>> -> memref<96x16xf32, #tpu.memory_space<vmem_shared>>
      tpu.enqueue_dma source(%arg15 : memref<96x16xf32, #tpu.memory_space<vmem>>) target(%dma_start3A_185 : memref<96x16xf32, #tpu.memory_space<vmem_shared>>) target_semaphore(%arg29 : memref<!tpu.dma_semaphore, #tpu.memory_space<semaphore_mem>>)
      %add3A_186 = arith.constant 96 : i32
      %add3A_187 = arith.addi %mul3A_4, %add3A_186 : i32
      %dma_start3A_188 = arith.constant 0 : i32
      %dma_start3A_189 = tpu.memref_slice %arg6[%add3A_187, %dma_start3A_188] : memref<10000x128xf32, #tpu.memory_space<vmem_shared>> -> memref<96x128xf32, #tpu.memory_space<vmem_shared>>
      %dma_start3A_190 = arith.constant 0 : i32
      %dma_start3A_191 = tpu.memref_slice %arg6[%add3A_187, %dma_start3A_190] : memref<10000x128xf32, #tpu.memory_space<vmem_shared>> -> memref<96x128xf32, #tpu.memory_space<vmem_shared>>
      tpu.enqueue_dma source(%arg8 : memref<96x128xf32, #tpu.memory_space<vmem>>) target(%dma_start3A_191 : memref<96x128xf32, #tpu.memory_space<vmem_shared>>) target_semaphore(%arg29 : memref<!tpu.dma_semaphore, #tpu.memory_space<semaphore_mem>>)
      %add3A_192 = arith.constant 96 : i32
      %add3A_193 = arith.addi %mul3A_4, %add3A_192 : i32
      %dma_start3A_194 = arith.constant 0 : i32
      %dma_start3A_195 = tpu.memref_slice %arg7[%add3A_193, %dma_start3A_194] : memref<10000x16xf32, #tpu.memory_space<vmem_shared>> -> memref<96x16xf32, #tpu.memory_space<vmem_shared>>
      %dma_start3A_196 = arith.constant 0 : i32
      %dma_start3A_197 = tpu.memref_slice %arg7[%add3A_193, %dma_start3A_196] : memref<10000x16xf32, #tpu.memory_space<vmem_shared>> -> memref<96x16xf32, #tpu.memory_space<vmem_shared>>
      tpu.enqueue_dma source(%arg15 : memref<96x16xf32, #tpu.memory_space<vmem>>) target(%dma_start3A_197 : memref<96x16xf32, #tpu.memory_space<vmem_shared>>) target_semaphore(%arg29 : memref<!tpu.dma_semaphore, #tpu.memory_space<semaphore_mem>>)
      %add3A_198 = arith.constant 192 : i32
      %add3A_199 = arith.addi %mul3A_4, %add3A_198 : i32
      %dma_start3A_200 = arith.constant 0 : i32
      %dma_start3A_201 = tpu.memref_slice %arg6[%add3A_199, %dma_start3A_200] : memref<10000x128xf32, #tpu.memory_space<vmem_shared>> -> memref<96x128xf32, #tpu.memory_space<vmem_shared>>
      %dma_start3A_202 = arith.constant 0 : i32
      %dma_start3A_203 = tpu.memref_slice %arg6[%add3A_199, %dma_start3A_202] : memref<10000x128xf32, #tpu.memory_space<vmem_shared>> -> memref<96x128xf32, #tpu.memory_space<vmem_shared>>
      tpu.enqueue_dma source(%arg8 : memref<96x128xf32, #tpu.memory_space<vmem>>) target(%dma_start3A_203 : memref<96x128xf32, #tpu.memory_space<vmem_shared>>) target_semaphore(%arg29 : memref<!tpu.dma_semaphore, #tpu.memory_space<semaphore_mem>>)
      %add3A_204 = arith.constant 192 : i32
      %add3A_205 = arith.addi %mul3A_4, %add3A_204 : i32
      %dma_start3A_206 = arith.constant 0 : i32
      %dma_start3A_207 = tpu.memref_slice %arg7[%add3A_205, %dma_start3A_206] : memref<10000x16xf32, #tpu.memory_space<vmem_shared>> -> memref<96x16xf32, #tpu.memory_space<vmem_shared>>
      %dma_start3A_208 = arith.constant 0 : i32
      %dma_start3A_209 = tpu.memref_slice %arg7[%add3A_205, %dma_start3A_208] : memref<10000x16xf32, #tpu.memory_space<vmem_shared>> -> memref<96x16xf32, #tpu.memory_space<vmem_shared>>
      tpu.enqueue_dma source(%arg15 : memref<96x16xf32, #tpu.memory_space<vmem>>) target(%dma_start3A_209 : memref<96x16xf32, #tpu.memory_space<vmem_shared>>) target_semaphore(%arg29 : memref<!tpu.dma_semaphore, #tpu.memory_space<semaphore_mem>>)
      %add3A_210 = arith.constant 288 : i32
      %add3A_211 = arith.addi %mul3A_4, %add3A_210 : i32
      %dma_start3A_212 = arith.constant 0 : i32
      %dma_start3A_213 = tpu.memref_slice %arg6[%add3A_211, %dma_start3A_212] : memref<10000x128xf32, #tpu.memory_space<vmem_shared>> -> memref<96x128xf32, #tpu.memory_space<vmem_shared>>
      %dma_start3A_214 = arith.constant 0 : i32
      %dma_start3A_215 = tpu.memref_slice %arg6[%add3A_211, %dma_start3A_214] : memref<10000x128xf32, #tpu.memory_space<vmem_shared>> -> memref<96x128xf32, #tpu.memory_space<vmem_shared>>
      tpu.enqueue_dma source(%arg8 : memref<96x128xf32, #tpu.memory_space<vmem>>) target(%dma_start3A_215 : memref<96x128xf32, #tpu.memory_space<vmem_shared>>) target_semaphore(%arg29 : memref<!tpu.dma_semaphore, #tpu.memory_space<semaphore_mem>>)
      %add3A_216 = arith.constant 288 : i32
      %add3A_217 = arith.addi %mul3A_4, %add3A_216 : i32
      %dma_start3A_218 = arith.constant 0 : i32
      %dma_start3A_219 = tpu.memref_slice %arg7[%add3A_217, %dma_start3A_218] : memref<10000x16xf32, #tpu.memory_space<vmem_shared>> -> memref<96x16xf32, #tpu.memory_space<vmem_shared>>
      %dma_start3A_220 = arith.constant 0 : i32
      %dma_start3A_221 = tpu.memref_slice %arg7[%add3A_217, %dma_start3A_220] : memref<10000x16xf32, #tpu.memory_space<vmem_shared>> -> memref<96x16xf32, #tpu.memory_space<vmem_shared>>
      tpu.enqueue_dma source(%arg15 : memref<96x16xf32, #tpu.memory_space<vmem>>) target(%dma_start3A_221 : memref<96x16xf32, #tpu.memory_space<vmem_shared>>) target_semaphore(%arg29 : memref<!tpu.dma_semaphore, #tpu.memory_space<semaphore_mem>>)
      %add3A_222 = arith.constant 384 : i32
      %add3A_223 = arith.addi %mul3A_4, %add3A_222 : i32
      %dma_start3A_224 = arith.constant 0 : i32
      %dma_start3A_225 = tpu.memref_slice %arg6[%add3A_223, %dma_start3A_224] : memref<10000x128xf32, #tpu.memory_space<vmem_shared>> -> memref<96x128xf32, #tpu.memory_space<vmem_shared>>
      %dma_start3A_226 = arith.constant 0 : i32
      %dma_start3A_227 = tpu.memref_slice %arg6[%add3A_223, %dma_start3A_226] : memref<10000x128xf32, #tpu.memory_space<vmem_shared>> -> memref<96x128xf32, #tpu.memory_space<vmem_shared>>
      tpu.enqueue_dma source(%arg8 : memref<96x128xf32, #tpu.memory_space<vmem>>) target(%dma_start3A_227 : memref<96x128xf32, #tpu.memory_space<vmem_shared>>) target_semaphore(%arg29 : memref<!tpu.dma_semaphore, #tpu.memory_space<semaphore_mem>>)
      %add3A_228 = arith.constant 384 : i32
      %add3A_229 = arith.addi %mul3A_4, %add3A_228 : i32
      %dma_start3A_230 = arith.constant 0 : i32
      %dma_start3A_231 = tpu.memref_slice %arg7[%add3A_229, %dma_start3A_230] : memref<10000x16xf32, #tpu.memory_space<vmem_shared>> -> memref<96x16xf32, #tpu.memory_space<vmem_shared>>
      %dma_start3A_232 = arith.constant 0 : i32
      %dma_start3A_233 = tpu.memref_slice %arg7[%add3A_229, %dma_start3A_232] : memref<10000x16xf32, #tpu.memory_space<vmem_shared>> -> memref<96x16xf32, #tpu.memory_space<vmem_shared>>
      tpu.enqueue_dma source(%arg15 : memref<96x16xf32, #tpu.memory_space<vmem>>) target(%dma_start3A_233 : memref<96x16xf32, #tpu.memory_space<vmem_shared>>) target_semaphore(%arg29 : memref<!tpu.dma_semaphore, #tpu.memory_space<semaphore_mem>>)
      %add3A_234 = arith.constant 480 : i32
      %add3A_235 = arith.addi %mul3A_4, %add3A_234 : i32
      %dma_start3A_236 = arith.constant 0 : i32
      %dma_start3A_237 = tpu.memref_slice %arg6[%add3A_235, %dma_start3A_236] : memref<10000x128xf32, #tpu.memory_space<vmem_shared>> -> memref<96x128xf32, #tpu.memory_space<vmem_shared>>
      %dma_start3A_238 = arith.constant 0 : i32
      %dma_start3A_239 = tpu.memref_slice %arg6[%add3A_235, %dma_start3A_238] : memref<10000x128xf32, #tpu.memory_space<vmem_shared>> -> memref<96x128xf32, #tpu.memory_space<vmem_shared>>
      tpu.enqueue_dma source(%arg8 : memref<96x128xf32, #tpu.memory_space<vmem>>) target(%dma_start3A_239 : memref<96x128xf32, #tpu.memory_space<vmem_shared>>) target_semaphore(%arg29 : memref<!tpu.dma_semaphore, #tpu.memory_space<semaphore_mem>>)
      %add3A_240 = arith.constant 480 : i32
      %add3A_241 = arith.addi %mul3A_4, %add3A_240 : i32
      %dma_start3A_242 = arith.constant 0 : i32
      %dma_start3A_243 = tpu.memref_slice %arg7[%add3A_241, %dma_start3A_242] : memref<10000x16xf32, #tpu.memory_space<vmem_shared>> -> memref<96x16xf32, #tpu.memory_space<vmem_shared>>
      %dma_start3A_244 = arith.constant 0 : i32
      %dma_start3A_245 = tpu.memref_slice %arg7[%add3A_241, %dma_start3A_244] : memref<10000x16xf32, #tpu.memory_space<vmem_shared>> -> memref<96x16xf32, #tpu.memory_space<vmem_shared>>
      tpu.enqueue_dma source(%arg15 : memref<96x16xf32, #tpu.memory_space<vmem>>) target(%dma_start3A_245 : memref<96x16xf32, #tpu.memory_space<vmem_shared>>) target_semaphore(%arg29 : memref<!tpu.dma_semaphore, #tpu.memory_space<semaphore_mem>>)
      %add3A_246 = arith.constant 576 : i32
      %add3A_247 = arith.addi %mul3A_4, %add3A_246 : i32
      %dma_start3A_248 = arith.constant 0 : i32
      %dma_start3A_249 = arith.constant 0 : i32
      %dma_start3A_250 = tpu.memref_slice %arg8[%dma_start3A_248, %dma_start3A_249] : memref<96x128xf32, #tpu.memory_space<vmem>> -> memref<48x128xf32, #tpu.memory_space<vmem>>
      %dma_start3A_251 = arith.constant 0 : i32
      %dma_start3A_252 = tpu.memref_slice %arg6[%add3A_247, %dma_start3A_251] : memref<10000x128xf32, #tpu.memory_space<vmem_shared>> -> memref<48x128xf32, #tpu.memory_space<vmem_shared>>
      %dma_start3A_253 = arith.constant 0 : i32
      %dma_start3A_254 = tpu.memref_slice %arg6[%add3A_247, %dma_start3A_253] : memref<10000x128xf32, #tpu.memory_space<vmem_shared>> -> memref<48x128xf32, #tpu.memory_space<vmem_shared>>
      %dma_start3A_255 = arith.constant 0 : i32
      %dma_start3A_256 = arith.constant 0 : i32
      %dma_start3A_257 = tpu.memref_slice %arg8[%dma_start3A_255, %dma_start3A_256] : memref<96x128xf32, #tpu.memory_space<vmem>> -> memref<48x128xf32, #tpu.memory_space<vmem>>
      tpu.enqueue_dma source(%dma_start3A_257 : memref<48x128xf32, #tpu.memory_space<vmem>>) target(%dma_start3A_254 : memref<48x128xf32, #tpu.memory_space<vmem_shared>>) target_semaphore(%arg29 : memref<!tpu.dma_semaphore, #tpu.memory_space<semaphore_mem>>)
      %add3A_258 = arith.constant 576 : i32
      %add3A_259 = arith.addi %mul3A_4, %add3A_258 : i32
      %dma_start3A_260 = arith.constant 0 : i32
      %dma_start3A_261 = arith.constant 0 : i32
      %dma_start3A_262 = tpu.memref_slice %arg15[%dma_start3A_260, %dma_start3A_261] : memref<96x16xf32, #tpu.memory_space<vmem>> -> memref<48x16xf32, #tpu.memory_space<vmem>>
      %dma_start3A_263 = arith.constant 0 : i32
      %dma_start3A_264 = tpu.memref_slice %arg7[%add3A_259, %dma_start3A_263] : memref<10000x16xf32, #tpu.memory_space<vmem_shared>> -> memref<48x16xf32, #tpu.memory_space<vmem_shared>>
      %dma_start3A_265 = arith.constant 0 : i32
      %dma_start3A_266 = tpu.memref_slice %arg7[%add3A_259, %dma_start3A_265] : memref<10000x16xf32, #tpu.memory_space<vmem_shared>> -> memref<48x16xf32, #tpu.memory_space<vmem_shared>>
      %dma_start3A_267 = arith.constant 0 : i32
      %dma_start3A_268 = arith.constant 0 : i32
      %dma_start3A_269 = tpu.memref_slice %arg15[%dma_start3A_267, %dma_start3A_268] : memref<96x16xf32, #tpu.memory_space<vmem>> -> memref<48x16xf32, #tpu.memory_space<vmem>>
      tpu.enqueue_dma source(%dma_start3A_269 : memref<48x16xf32, #tpu.memory_space<vmem>>) target(%dma_start3A_266 : memref<48x16xf32, #tpu.memory_space<vmem_shared>>) target_semaphore(%arg29 : memref<!tpu.dma_semaphore, #tpu.memory_space<semaphore_mem>>)
      %dma_wait3A_270 = arith.constant 0 : i32
      %dma_wait3A_271 = tpu.memref_slice %arg6[%add3A_175, %dma_wait3A_270] : memref<10000x128xf32, #tpu.memory_space<vmem_shared>> -> memref<96x128xf32, #tpu.memory_space<vmem_shared>>
      %dma_wait3A_272 = arith.constant 0 : i32
      %dma_wait3A_273 = tpu.memref_slice %arg6[%add3A_175, %dma_wait3A_272] : memref<10000x128xf32, #tpu.memory_space<vmem_shared>> -> memref<96x128xf32, #tpu.memory_space<vmem_shared>>
      tpu.wait_dma2 semaphore(%arg29 : memref<!tpu.dma_semaphore, #tpu.memory_space<semaphore_mem>>) src(%arg8 : memref<96x128xf32, #tpu.memory_space<vmem>>) dst(%dma_wait3A_273 : memref<96x128xf32, #tpu.memory_space<vmem_shared>>)
      %dma_wait3A_274 = arith.constant 0 : i32
      %dma_wait3A_275 = tpu.memref_slice %arg7[%add3A_181, %dma_wait3A_274] : memref<10000x16xf32, #tpu.memory_space<vmem_shared>> -> memref<96x16xf32, #tpu.memory_space<vmem_shared>>
      %dma_wait3A_276 = arith.constant 0 : i32
      %dma_wait3A_277 = tpu.memref_slice %arg7[%add3A_181, %dma_wait3A_276] : memref<10000x16xf32, #tpu.memory_space<vmem_shared>> -> memref<96x16xf32, #tpu.memory_space<vmem_shared>>
      tpu.wait_dma2 semaphore(%arg29 : memref<!tpu.dma_semaphore, #tpu.memory_space<semaphore_mem>>) src(%arg15 : memref<96x16xf32, #tpu.memory_space<vmem>>) dst(%dma_wait3A_277 : memref<96x16xf32, #tpu.memory_space<vmem_shared>>)
      %dma_wait3A_278 = arith.constant 0 : i32
      %dma_wait3A_279 = tpu.memref_slice %arg6[%add3A_187, %dma_wait3A_278] : memref<10000x128xf32, #tpu.memory_space<vmem_shared>> -> memref<96x128xf32, #tpu.memory_space<vmem_shared>>
      %dma_wait3A_280 = arith.constant 0 : i32
      %dma_wait3A_281 = tpu.memref_slice %arg6[%add3A_187, %dma_wait3A_280] : memref<10000x128xf32, #tpu.memory_space<vmem_shared>> -> memref<96x128xf32, #tpu.memory_space<vmem_shared>>
      tpu.wait_dma2 semaphore(%arg29 : memref<!tpu.dma_semaphore, #tpu.memory_space<semaphore_mem>>) src(%arg8 : memref<96x128xf32, #tpu.memory_space<vmem>>) dst(%dma_wait3A_281 : memref<96x128xf32, #tpu.memory_space<vmem_shared>>)
      %dma_wait3A_282 = arith.constant 0 : i32
      %dma_wait3A_283 = tpu.memref_slice %arg7[%add3A_193, %dma_wait3A_282] : memref<10000x16xf32, #tpu.memory_space<vmem_shared>> -> memref<96x16xf32, #tpu.memory_space<vmem_shared>>
      %dma_wait3A_284 = arith.constant 0 : i32
      %dma_wait3A_285 = tpu.memref_slice %arg7[%add3A_193, %dma_wait3A_284] : memref<10000x16xf32, #tpu.memory_space<vmem_shared>> -> memref<96x16xf32, #tpu.memory_space<vmem_shared>>
      tpu.wait_dma2 semaphore(%arg29 : memref<!tpu.dma_semaphore, #tpu.memory_space<semaphore_mem>>) src(%arg15 : memref<96x16xf32, #tpu.memory_space<vmem>>) dst(%dma_wait3A_285 : memref<96x16xf32, #tpu.memory_space<vmem_shared>>)
      %dma_wait3A_286 = arith.constant 0 : i32
      %dma_wait3A_287 = tpu.memref_slice %arg6[%add3A_199, %dma_wait3A_286] : memref<10000x128xf32, #tpu.memory_space<vmem_shared>> -> memref<96x128xf32, #tpu.memory_space<vmem_shared>>
      %dma_wait3A_288 = arith.constant 0 : i32
      %dma_wait3A_289 = tpu.memref_slice %arg6[%add3A_199, %dma_wait3A_288] : memref<10000x128xf32, #tpu.memory_space<vmem_shared>> -> memref<96x128xf32, #tpu.memory_space<vmem_shared>>
      tpu.wait_dma2 semaphore(%arg29 : memref<!tpu.dma_semaphore, #tpu.memory_space<semaphore_mem>>) src(%arg8 : memref<96x128xf32, #tpu.memory_space<vmem>>) dst(%dma_wait3A_289 : memref<96x128xf32, #tpu.memory_space<vmem_shared>>)
      %dma_wait3A_290 = arith.constant 0 : i32
      %dma_wait3A_291 = tpu.memref_slice %arg7[%add3A_205, %dma_wait3A_290] : memref<10000x16xf32, #tpu.memory_space<vmem_shared>> -> memref<96x16xf32, #tpu.memory_space<vmem_shared>>
      %dma_wait3A_292 = arith.constant 0 : i32
      %dma_wait3A_293 = tpu.memref_slice %arg7[%add3A_205, %dma_wait3A_292] : memref<10000x16xf32, #tpu.memory_space<vmem_shared>> -> memref<96x16xf32, #tpu.memory_space<vmem_shared>>
      tpu.wait_dma2 semaphore(%arg29 : memref<!tpu.dma_semaphore, #tpu.memory_space<semaphore_mem>>) src(%arg15 : memref<96x16xf32, #tpu.memory_space<vmem>>) dst(%dma_wait3A_293 : memref<96x16xf32, #tpu.memory_space<vmem_shared>>)
      %dma_wait3A_294 = arith.constant 0 : i32
      %dma_wait3A_295 = tpu.memref_slice %arg6[%add3A_211, %dma_wait3A_294] : memref<10000x128xf32, #tpu.memory_space<vmem_shared>> -> memref<96x128xf32, #tpu.memory_space<vmem_shared>>
      %dma_wait3A_296 = arith.constant 0 : i32
      %dma_wait3A_297 = tpu.memref_slice %arg6[%add3A_211, %dma_wait3A_296] : memref<10000x128xf32, #tpu.memory_space<vmem_shared>> -> memref<96x128xf32, #tpu.memory_space<vmem_shared>>
      tpu.wait_dma2 semaphore(%arg29 : memref<!tpu.dma_semaphore, #tpu.memory_space<semaphore_mem>>) src(%arg8 : memref<96x128xf32, #tpu.memory_space<vmem>>) dst(%dma_wait3A_297 : memref<96x128xf32, #tpu.memory_space<vmem_shared>>)
      %dma_wait3A_298 = arith.constant 0 : i32
      %dma_wait3A_299 = tpu.memref_slice %arg7[%add3A_217, %dma_wait3A_298] : memref<10000x16xf32, #tpu.memory_space<vmem_shared>> -> memref<96x16xf32, #tpu.memory_space<vmem_shared>>
      %dma_wait3A_300 = arith.constant 0 : i32
      %dma_wait3A_301 = tpu.memref_slice %arg7[%add3A_217, %dma_wait3A_300] : memref<10000x16xf32, #tpu.memory_space<vmem_shared>> -> memref<96x16xf32, #tpu.memory_space<vmem_shared>>
      tpu.wait_dma2 semaphore(%arg29 : memref<!tpu.dma_semaphore, #tpu.memory_space<semaphore_mem>>) src(%arg15 : memref<96x16xf32, #tpu.memory_space<vmem>>) dst(%dma_wait3A_301 : memref<96x16xf32, #tpu.memory_space<vmem_shared>>)
      %dma_wait3A_302 = arith.constant 0 : i32
      %dma_wait3A_303 = tpu.memref_slice %arg6[%add3A_223, %dma_wait3A_302] : memref<10000x128xf32, #tpu.memory_space<vmem_shared>> -> memref<96x128xf32, #tpu.memory_space<vmem_shared>>
      %dma_wait3A_304 = arith.constant 0 : i32
      %dma_wait3A_305 = tpu.memref_slice %arg6[%add3A_223, %dma_wait3A_304] : memref<10000x128xf32, #tpu.memory_space<vmem_shared>> -> memref<96x128xf32, #tpu.memory_space<vmem_shared>>
      tpu.wait_dma2 semaphore(%arg29 : memref<!tpu.dma_semaphore, #tpu.memory_space<semaphore_mem>>) src(%arg8 : memref<96x128xf32, #tpu.memory_space<vmem>>) dst(%dma_wait3A_305 : memref<96x128xf32, #tpu.memory_space<vmem_shared>>)
      %dma_wait3A_306 = arith.constant 0 : i32
      %dma_wait3A_307 = tpu.memref_slice %arg7[%add3A_229, %dma_wait3A_306] : memref<10000x16xf32, #tpu.memory_space<vmem_shared>> -> memref<96x16xf32, #tpu.memory_space<vmem_shared>>
      %dma_wait3A_308 = arith.constant 0 : i32
      %dma_wait3A_309 = tpu.memref_slice %arg7[%add3A_229, %dma_wait3A_308] : memref<10000x16xf32, #tpu.memory_space<vmem_shared>> -> memref<96x16xf32, #tpu.memory_space<vmem_shared>>
      tpu.wait_dma2 semaphore(%arg29 : memref<!tpu.dma_semaphore, #tpu.memory_space<semaphore_mem>>) src(%arg15 : memref<96x16xf32, #tpu.memory_space<vmem>>) dst(%dma_wait3A_309 : memref<96x16xf32, #tpu.memory_space<vmem_shared>>)
      %dma_wait3A_310 = arith.constant 0 : i32
      %dma_wait3A_311 = tpu.memref_slice %arg6[%add3A_235, %dma_wait3A_310] : memref<10000x128xf32, #tpu.memory_space<vmem_shared>> -> memref<96x128xf32, #tpu.memory_space<vmem_shared>>
      %dma_wait3A_312 = arith.constant 0 : i32
      %dma_wait3A_313 = tpu.memref_slice %arg6[%add3A_235, %dma_wait3A_312] : memref<10000x128xf32, #tpu.memory_space<vmem_shared>> -> memref<96x128xf32, #tpu.memory_space<vmem_shared>>
      tpu.wait_dma2 semaphore(%arg29 : memref<!tpu.dma_semaphore, #tpu.memory_space<semaphore_mem>>) src(%arg8 : memref<96x128xf32, #tpu.memory_space<vmem>>) dst(%dma_wait3A_313 : memref<96x128xf32, #tpu.memory_space<vmem_shared>>)
      %dma_wait3A_314 = arith.constant 0 : i32
      %dma_wait3A_315 = tpu.memref_slice %arg7[%add3A_241, %dma_wait3A_314] : memref<10000x16xf32, #tpu.memory_space<vmem_shared>> -> memref<96x16xf32, #tpu.memory_space<vmem_shared>>
      %dma_wait3A_316 = arith.constant 0 : i32
      %dma_wait3A_317 = tpu.memref_slice %arg7[%add3A_241, %dma_wait3A_316] : memref<10000x16xf32, #tpu.memory_space<vmem_shared>> -> memref<96x16xf32, #tpu.memory_space<vmem_shared>>
      tpu.wait_dma2 semaphore(%arg29 : memref<!tpu.dma_semaphore, #tpu.memory_space<semaphore_mem>>) src(%arg15 : memref<96x16xf32, #tpu.memory_space<vmem>>) dst(%dma_wait3A_317 : memref<96x16xf32, #tpu.memory_space<vmem_shared>>)
      %dma_wait3A_318 = arith.constant 0 : i32
      %dma_wait3A_319 = arith.constant 0 : i32
      %dma_wait3A_320 = tpu.memref_slice %arg8[%dma_wait3A_318, %dma_wait3A_319] : memref<96x128xf32, #tpu.memory_space<vmem>> -> memref<48x128xf32, #tpu.memory_space<vmem>>
      %dma_wait3A_321 = arith.constant 0 : i32
      %dma_wait3A_322 = tpu.memref_slice %arg6[%add3A_247, %dma_wait3A_321] : memref<10000x128xf32, #tpu.memory_space<vmem_shared>> -> memref<48x128xf32, #tpu.memory_space<vmem_shared>>
      %dma_wait3A_323 = arith.constant 0 : i32
      %dma_wait3A_324 = tpu.memref_slice %arg6[%add3A_247, %dma_wait3A_323] : memref<10000x128xf32, #tpu.memory_space<vmem_shared>> -> memref<48x128xf32, #tpu.memory_space<vmem_shared>>
      %dma_wait3A_325 = arith.constant 0 : i32
      %dma_wait3A_326 = arith.constant 0 : i32
      %dma_wait3A_327 = tpu.memref_slice %arg8[%dma_wait3A_325, %dma_wait3A_326] : memref<96x128xf32, #tpu.memory_space<vmem>> -> memref<48x128xf32, #tpu.memory_space<vmem>>
      tpu.wait_dma2 semaphore(%arg29 : memref<!tpu.dma_semaphore, #tpu.memory_space<semaphore_mem>>) src(%dma_wait3A_327 : memref<48x128xf32, #tpu.memory_space<vmem>>) dst(%dma_wait3A_324 : memref<48x128xf32, #tpu.memory_space<vmem_shared>>)
      %dma_wait3A_328 = arith.constant 0 : i32
      %dma_wait3A_329 = arith.constant 0 : i32
      %dma_wait3A_330 = tpu.memref_slice %arg15[%dma_wait3A_328, %dma_wait3A_329] : memref<96x16xf32, #tpu.memory_space<vmem>> -> memref<48x16xf32, #tpu.memory_space<vmem>>
      %dma_wait3A_331 = arith.constant 0 : i32
      %dma_wait3A_332 = tpu.memref_slice %arg7[%add3A_259, %dma_wait3A_331] : memref<10000x16xf32, #tpu.memory_space<vmem_shared>> -> memref<48x16xf32, #tpu.memory_space<vmem_shared>>
      %dma_wait3A_333 = arith.constant 0 : i32
      %dma_wait3A_334 = tpu.memref_slice %arg7[%add3A_259, %dma_wait3A_333] : memref<10000x16xf32, #tpu.memory_space<vmem_shared>> -> memref<48x16xf32, #tpu.memory_space<vmem_shared>>
      %dma_wait3A_335 = arith.constant 0 : i32
      %dma_wait3A_336 = arith.constant 0 : i32
      %dma_wait3A_337 = tpu.memref_slice %arg15[%dma_wait3A_335, %dma_wait3A_336] : memref<96x16xf32, #tpu.memory_space<vmem>> -> memref<48x16xf32, #tpu.memory_space<vmem>>
      tpu.wait_dma2 semaphore(%arg29 : memref<!tpu.dma_semaphore, #tpu.memory_space<semaphore_mem>>) src(%dma_wait3A_337 : memref<48x16xf32, #tpu.memory_space<vmem>>) dst(%dma_wait3A_334 : memref<48x16xf32, #tpu.memory_space<vmem_shared>>)
    } else {
    }
    %eq3A = arith.constant 15 : i32
    %eq3A_29 = arith.cmpi eq, %arg1, %eq3A : i32
    %convert_element_type3A_30 = arith.extui %eq3A_29 : i1 to i32
    %cond3A_31 = arith.constant 0 : i32
    %cond3A_32 = arith.cmpi ne, %convert_element_type3A_30, %cond3A_31 : i32
    scf.if %cond3A_32 {
      %add3A_174 = arith.constant 0 : i32
      %add3A_175 = arith.addi %mul3A_4, %add3A_174 : i32
      %dma_start3A_176 = arith.constant 0 : i32
      %dma_start3A_177 = tpu.memref_slice %arg6[%add3A_175, %dma_start3A_176] : memref<10000x128xf32, #tpu.memory_space<vmem_shared>> -> memref<96x128xf32, #tpu.memory_space<vmem_shared>>
      %dma_start3A_178 = arith.constant 0 : i32
      %dma_start3A_179 = tpu.memref_slice %arg6[%add3A_175, %dma_start3A_178] : memref<10000x128xf32, #tpu.memory_space<vmem_shared>> -> memref<96x128xf32, #tpu.memory_space<vmem_shared>>
      tpu.enqueue_dma source(%arg8 : memref<96x128xf32, #tpu.memory_space<vmem>>) target(%dma_start3A_179 : memref<96x128xf32, #tpu.memory_space<vmem_shared>>) target_semaphore(%arg29 : memref<!tpu.dma_semaphore, #tpu.memory_space<semaphore_mem>>)
      %add3A_180 = arith.constant 0 : i32
      %add3A_181 = arith.addi %mul3A_4, %add3A_180 : i32
      %dma_start3A_182 = arith.constant 0 : i32
      %dma_start3A_183 = tpu.memref_slice %arg7[%add3A_181, %dma_start3A_182] : memref<10000x16xf32, #tpu.memory_space<vmem_shared>> -> memref<96x16xf32, #tpu.memory_space<vmem_shared>>
      %dma_start3A_184 = arith.constant 0 : i32
      %dma_start3A_185 = tpu.memref_slice %arg7[%add3A_181, %dma_start3A_184] : memref<10000x16xf32, #tpu.memory_space<vmem_shared>> -> memref<96x16xf32, #tpu.memory_space<vmem_shared>>
      tpu.enqueue_dma source(%arg15 : memref<96x16xf32, #tpu.memory_space<vmem>>) target(%dma_start3A_185 : memref<96x16xf32, #tpu.memory_space<vmem_shared>>) target_semaphore(%arg29 : memref<!tpu.dma_semaphore, #tpu.memory_space<semaphore_mem>>)
      %add3A_186 = arith.constant 96 : i32
      %add3A_187 = arith.addi %mul3A_4, %add3A_186 : i32
      %dma_start3A_188 = arith.constant 0 : i32
      %dma_start3A_189 = tpu.memref_slice %arg6[%add3A_187, %dma_start3A_188] : memref<10000x128xf32, #tpu.memory_space<vmem_shared>> -> memref<96x128xf32, #tpu.memory_space<vmem_shared>>
      %dma_start3A_190 = arith.constant 0 : i32
      %dma_start3A_191 = tpu.memref_slice %arg6[%add3A_187, %dma_start3A_190] : memref<10000x128xf32, #tpu.memory_space<vmem_shared>> -> memref<96x128xf32, #tpu.memory_space<vmem_shared>>
      tpu.enqueue_dma source(%arg8 : memref<96x128xf32, #tpu.memory_space<vmem>>) target(%dma_start3A_191 : memref<96x128xf32, #tpu.memory_space<vmem_shared>>) target_semaphore(%arg29 : memref<!tpu.dma_semaphore, #tpu.memory_space<semaphore_mem>>)
      %add3A_192 = arith.constant 96 : i32
      %add3A_193 = arith.addi %mul3A_4, %add3A_192 : i32
      %dma_start3A_194 = arith.constant 0 : i32
      %dma_start3A_195 = tpu.memref_slice %arg7[%add3A_193, %dma_start3A_194] : memref<10000x16xf32, #tpu.memory_space<vmem_shared>> -> memref<96x16xf32, #tpu.memory_space<vmem_shared>>
      %dma_start3A_196 = arith.constant 0 : i32
      %dma_start3A_197 = tpu.memref_slice %arg7[%add3A_193, %dma_start3A_196] : memref<10000x16xf32, #tpu.memory_space<vmem_shared>> -> memref<96x16xf32, #tpu.memory_space<vmem_shared>>
      tpu.enqueue_dma source(%arg15 : memref<96x16xf32, #tpu.memory_space<vmem>>) target(%dma_start3A_197 : memref<96x16xf32, #tpu.memory_space<vmem_shared>>) target_semaphore(%arg29 : memref<!tpu.dma_semaphore, #tpu.memory_space<semaphore_mem>>)
      %add3A_198 = arith.constant 192 : i32
      %add3A_199 = arith.addi %mul3A_4, %add3A_198 : i32
      %dma_start3A_200 = arith.constant 0 : i32
      %dma_start3A_201 = tpu.memref_slice %arg6[%add3A_199, %dma_start3A_200] : memref<10000x128xf32, #tpu.memory_space<vmem_shared>> -> memref<96x128xf32, #tpu.memory_space<vmem_shared>>
      %dma_start3A_202 = arith.constant 0 : i32
      %dma_start3A_203 = tpu.memref_slice %arg6[%add3A_199, %dma_start3A_202] : memref<10000x128xf32, #tpu.memory_space<vmem_shared>> -> memref<96x128xf32, #tpu.memory_space<vmem_shared>>
      tpu.enqueue_dma source(%arg8 : memref<96x128xf32, #tpu.memory_space<vmem>>) target(%dma_start3A_203 : memref<96x128xf32, #tpu.memory_space<vmem_shared>>) target_semaphore(%arg29 : memref<!tpu.dma_semaphore, #tpu.memory_space<semaphore_mem>>)
      %add3A_204 = arith.constant 192 : i32
      %add3A_205 = arith.addi %mul3A_4, %add3A_204 : i32
      %dma_start3A_206 = arith.constant 0 : i32
      %dma_start3A_207 = tpu.memref_slice %arg7[%add3A_205, %dma_start3A_206] : memref<10000x16xf32, #tpu.memory_space<vmem_shared>> -> memref<96x16xf32, #tpu.memory_space<vmem_shared>>
      %dma_start3A_208 = arith.constant 0 : i32
      %dma_start3A_209 = tpu.memref_slice %arg7[%add3A_205, %dma_start3A_208] : memref<10000x16xf32, #tpu.memory_space<vmem_shared>> -> memref<96x16xf32, #tpu.memory_space<vmem_shared>>
      tpu.enqueue_dma source(%arg15 : memref<96x16xf32, #tpu.memory_space<vmem>>) target(%dma_start3A_209 : memref<96x16xf32, #tpu.memory_space<vmem_shared>>) target_semaphore(%arg29 : memref<!tpu.dma_semaphore, #tpu.memory_space<semaphore_mem>>)
      %add3A_210 = arith.constant 288 : i32
      %add3A_211 = arith.addi %mul3A_4, %add3A_210 : i32
      %dma_start3A_212 = arith.constant 0 : i32
      %dma_start3A_213 = tpu.memref_slice %arg6[%add3A_211, %dma_start3A_212] : memref<10000x128xf32, #tpu.memory_space<vmem_shared>> -> memref<96x128xf32, #tpu.memory_space<vmem_shared>>
      %dma_start3A_214 = arith.constant 0 : i32
      %dma_start3A_215 = tpu.memref_slice %arg6[%add3A_211, %dma_start3A_214] : memref<10000x128xf32, #tpu.memory_space<vmem_shared>> -> memref<96x128xf32, #tpu.memory_space<vmem_shared>>
      tpu.enqueue_dma source(%arg8 : memref<96x128xf32, #tpu.memory_space<vmem>>) target(%dma_start3A_215 : memref<96x128xf32, #tpu.memory_space<vmem_shared>>) target_semaphore(%arg29 : memref<!tpu.dma_semaphore, #tpu.memory_space<semaphore_mem>>)
      %add3A_216 = arith.constant 288 : i32
      %add3A_217 = arith.addi %mul3A_4, %add3A_216 : i32
      %dma_start3A_218 = arith.constant 0 : i32
      %dma_start3A_219 = tpu.memref_slice %arg7[%add3A_217, %dma_start3A_218] : memref<10000x16xf32, #tpu.memory_space<vmem_shared>> -> memref<96x16xf32, #tpu.memory_space<vmem_shared>>
      %dma_start3A_220 = arith.constant 0 : i32
      %dma_start3A_221 = tpu.memref_slice %arg7[%add3A_217, %dma_start3A_220] : memref<10000x16xf32, #tpu.memory_space<vmem_shared>> -> memref<96x16xf32, #tpu.memory_space<vmem_shared>>
      tpu.enqueue_dma source(%arg15 : memref<96x16xf32, #tpu.memory_space<vmem>>) target(%dma_start3A_221 : memref<96x16xf32, #tpu.memory_space<vmem_shared>>) target_semaphore(%arg29 : memref<!tpu.dma_semaphore, #tpu.memory_space<semaphore_mem>>)
      %add3A_222 = arith.constant 384 : i32
      %add3A_223 = arith.addi %mul3A_4, %add3A_222 : i32
      %dma_start3A_224 = arith.constant 0 : i32
      %dma_start3A_225 = tpu.memref_slice %arg6[%add3A_223, %dma_start3A_224] : memref<10000x128xf32, #tpu.memory_space<vmem_shared>> -> memref<96x128xf32, #tpu.memory_space<vmem_shared>>
      %dma_start3A_226 = arith.constant 0 : i32
      %dma_start3A_227 = tpu.memref_slice %arg6[%add3A_223, %dma_start3A_226] : memref<10000x128xf32, #tpu.memory_space<vmem_shared>> -> memref<96x128xf32, #tpu.memory_space<vmem_shared>>
      tpu.enqueue_dma source(%arg8 : memref<96x128xf32, #tpu.memory_space<vmem>>) target(%dma_start3A_227 : memref<96x128xf32, #tpu.memory_space<vmem_shared>>) target_semaphore(%arg29 : memref<!tpu.dma_semaphore, #tpu.memory_space<semaphore_mem>>)
      %add3A_228 = arith.constant 384 : i32
      %add3A_229 = arith.addi %mul3A_4, %add3A_228 : i32
      %dma_start3A_230 = arith.constant 0 : i32
      %dma_start3A_231 = tpu.memref_slice %arg7[%add3A_229, %dma_start3A_230] : memref<10000x16xf32, #tpu.memory_space<vmem_shared>> -> memref<96x16xf32, #tpu.memory_space<vmem_shared>>
      %dma_start3A_232 = arith.constant 0 : i32
      %dma_start3A_233 = tpu.memref_slice %arg7[%add3A_229, %dma_start3A_232] : memref<10000x16xf32, #tpu.memory_space<vmem_shared>> -> memref<96x16xf32, #tpu.memory_space<vmem_shared>>
      tpu.enqueue_dma source(%arg15 : memref<96x16xf32, #tpu.memory_space<vmem>>) target(%dma_start3A_233 : memref<96x16xf32, #tpu.memory_space<vmem_shared>>) target_semaphore(%arg29 : memref<!tpu.dma_semaphore, #tpu.memory_space<semaphore_mem>>)
      %add3A_234 = arith.constant 480 : i32
      %add3A_235 = arith.addi %mul3A_4, %add3A_234 : i32
      %dma_start3A_236 = arith.constant 0 : i32
      %dma_start3A_237 = tpu.memref_slice %arg6[%add3A_235, %dma_start3A_236] : memref<10000x128xf32, #tpu.memory_space<vmem_shared>> -> memref<96x128xf32, #tpu.memory_space<vmem_shared>>
      %dma_start3A_238 = arith.constant 0 : i32
      %dma_start3A_239 = tpu.memref_slice %arg6[%add3A_235, %dma_start3A_238] : memref<10000x128xf32, #tpu.memory_space<vmem_shared>> -> memref<96x128xf32, #tpu.memory_space<vmem_shared>>
      tpu.enqueue_dma source(%arg8 : memref<96x128xf32, #tpu.memory_space<vmem>>) target(%dma_start3A_239 : memref<96x128xf32, #tpu.memory_space<vmem_shared>>) target_semaphore(%arg29 : memref<!tpu.dma_semaphore, #tpu.memory_space<semaphore_mem>>)
      %add3A_240 = arith.constant 480 : i32
      %add3A_241 = arith.addi %mul3A_4, %add3A_240 : i32
      %dma_start3A_242 = arith.constant 0 : i32
      %dma_start3A_243 = tpu.memref_slice %arg7[%add3A_241, %dma_start3A_242] : memref<10000x16xf32, #tpu.memory_space<vmem_shared>> -> memref<96x16xf32, #tpu.memory_space<vmem_shared>>
      %dma_start3A_244 = arith.constant 0 : i32
      %dma_start3A_245 = tpu.memref_slice %arg7[%add3A_241, %dma_start3A_244] : memref<10000x16xf32, #tpu.memory_space<vmem_shared>> -> memref<96x16xf32, #tpu.memory_space<vmem_shared>>
      tpu.enqueue_dma source(%arg15 : memref<96x16xf32, #tpu.memory_space<vmem>>) target(%dma_start3A_245 : memref<96x16xf32, #tpu.memory_space<vmem_shared>>) target_semaphore(%arg29 : memref<!tpu.dma_semaphore, #tpu.memory_space<semaphore_mem>>)
      %add3A_246 = arith.constant 576 : i32
      %add3A_247 = arith.addi %mul3A_4, %add3A_246 : i32
      %dma_start3A_248 = arith.constant 0 : i32
      %dma_start3A_249 = arith.constant 0 : i32
      %dma_start3A_250 = tpu.memref_slice %arg8[%dma_start3A_248, %dma_start3A_249] : memref<96x128xf32, #tpu.memory_space<vmem>> -> memref<64x128xf32, #tpu.memory_space<vmem>>
      %dma_start3A_251 = arith.constant 0 : i32
      %dma_start3A_252 = tpu.memref_slice %arg6[%add3A_247, %dma_start3A_251] : memref<10000x128xf32, #tpu.memory_space<vmem_shared>> -> memref<64x128xf32, #tpu.memory_space<vmem_shared>>
      %dma_start3A_253 = arith.constant 0 : i32
      %dma_start3A_254 = tpu.memref_slice %arg6[%add3A_247, %dma_start3A_253] : memref<10000x128xf32, #tpu.memory_space<vmem_shared>> -> memref<64x128xf32, #tpu.memory_space<vmem_shared>>
      %dma_start3A_255 = arith.constant 0 : i32
      %dma_start3A_256 = arith.constant 0 : i32
      %dma_start3A_257 = tpu.memref_slice %arg8[%dma_start3A_255, %dma_start3A_256] : memref<96x128xf32, #tpu.memory_space<vmem>> -> memref<64x128xf32, #tpu.memory_space<vmem>>
      tpu.enqueue_dma source(%dma_start3A_257 : memref<64x128xf32, #tpu.memory_space<vmem>>) target(%dma_start3A_254 : memref<64x128xf32, #tpu.memory_space<vmem_shared>>) target_semaphore(%arg29 : memref<!tpu.dma_semaphore, #tpu.memory_space<semaphore_mem>>)
      %add3A_258 = arith.constant 576 : i32
      %add3A_259 = arith.addi %mul3A_4, %add3A_258 : i32
      %dma_start3A_260 = arith.constant 0 : i32
      %dma_start3A_261 = arith.constant 0 : i32
      %dma_start3A_262 = tpu.memref_slice %arg15[%dma_start3A_260, %dma_start3A_261] : memref<96x16xf32, #tpu.memory_space<vmem>> -> memref<64x16xf32, #tpu.memory_space<vmem>>
      %dma_start3A_263 = arith.constant 0 : i32
      %dma_start3A_264 = tpu.memref_slice %arg7[%add3A_259, %dma_start3A_263] : memref<10000x16xf32, #tpu.memory_space<vmem_shared>> -> memref<64x16xf32, #tpu.memory_space<vmem_shared>>
      %dma_start3A_265 = arith.constant 0 : i32
      %dma_start3A_266 = tpu.memref_slice %arg7[%add3A_259, %dma_start3A_265] : memref<10000x16xf32, #tpu.memory_space<vmem_shared>> -> memref<64x16xf32, #tpu.memory_space<vmem_shared>>
      %dma_start3A_267 = arith.constant 0 : i32
      %dma_start3A_268 = arith.constant 0 : i32
      %dma_start3A_269 = tpu.memref_slice %arg15[%dma_start3A_267, %dma_start3A_268] : memref<96x16xf32, #tpu.memory_space<vmem>> -> memref<64x16xf32, #tpu.memory_space<vmem>>
      tpu.enqueue_dma source(%dma_start3A_269 : memref<64x16xf32, #tpu.memory_space<vmem>>) target(%dma_start3A_266 : memref<64x16xf32, #tpu.memory_space<vmem_shared>>) target_semaphore(%arg29 : memref<!tpu.dma_semaphore, #tpu.memory_space<semaphore_mem>>)
      %dma_wait3A_270 = arith.constant 0 : i32
      %dma_wait3A_271 = tpu.memref_slice %arg6[%add3A_175, %dma_wait3A_270] : memref<10000x128xf32, #tpu.memory_space<vmem_shared>> -> memref<96x128xf32, #tpu.memory_space<vmem_shared>>
      %dma_wait3A_272 = arith.constant 0 : i32
      %dma_wait3A_273 = tpu.memref_slice %arg6[%add3A_175, %dma_wait3A_272] : memref<10000x128xf32, #tpu.memory_space<vmem_shared>> -> memref<96x128xf32, #tpu.memory_space<vmem_shared>>
      tpu.wait_dma2 semaphore(%arg29 : memref<!tpu.dma_semaphore, #tpu.memory_space<semaphore_mem>>) src(%arg8 : memref<96x128xf32, #tpu.memory_space<vmem>>) dst(%dma_wait3A_273 : memref<96x128xf32, #tpu.memory_space<vmem_shared>>)
      %dma_wait3A_274 = arith.constant 0 : i32
      %dma_wait3A_275 = tpu.memref_slice %arg7[%add3A_181, %dma_wait3A_274] : memref<10000x16xf32, #tpu.memory_space<vmem_shared>> -> memref<96x16xf32, #tpu.memory_space<vmem_shared>>
      %dma_wait3A_276 = arith.constant 0 : i32
      %dma_wait3A_277 = tpu.memref_slice %arg7[%add3A_181, %dma_wait3A_276] : memref<10000x16xf32, #tpu.memory_space<vmem_shared>> -> memref<96x16xf32, #tpu.memory_space<vmem_shared>>
      tpu.wait_dma2 semaphore(%arg29 : memref<!tpu.dma_semaphore, #tpu.memory_space<semaphore_mem>>) src(%arg15 : memref<96x16xf32, #tpu.memory_space<vmem>>) dst(%dma_wait3A_277 : memref<96x16xf32, #tpu.memory_space<vmem_shared>>)
      %dma_wait3A_278 = arith.constant 0 : i32
      %dma_wait3A_279 = tpu.memref_slice %arg6[%add3A_187, %dma_wait3A_278] : memref<10000x128xf32, #tpu.memory_space<vmem_shared>> -> memref<96x128xf32, #tpu.memory_space<vmem_shared>>
      %dma_wait3A_280 = arith.constant 0 : i32
      %dma_wait3A_281 = tpu.memref_slice %arg6[%add3A_187, %dma_wait3A_280] : memref<10000x128xf32, #tpu.memory_space<vmem_shared>> -> memref<96x128xf32, #tpu.memory_space<vmem_shared>>
      tpu.wait_dma2 semaphore(%arg29 : memref<!tpu.dma_semaphore, #tpu.memory_space<semaphore_mem>>) src(%arg8 : memref<96x128xf32, #tpu.memory_space<vmem>>) dst(%dma_wait3A_281 : memref<96x128xf32, #tpu.memory_space<vmem_shared>>)
      %dma_wait3A_282 = arith.constant 0 : i32
      %dma_wait3A_283 = tpu.memref_slice %arg7[%add3A_193, %dma_wait3A_282] : memref<10000x16xf32, #tpu.memory_space<vmem_shared>> -> memref<96x16xf32, #tpu.memory_space<vmem_shared>>
      %dma_wait3A_284 = arith.constant 0 : i32
      %dma_wait3A_285 = tpu.memref_slice %arg7[%add3A_193, %dma_wait3A_284] : memref<10000x16xf32, #tpu.memory_space<vmem_shared>> -> memref<96x16xf32, #tpu.memory_space<vmem_shared>>
      tpu.wait_dma2 semaphore(%arg29 : memref<!tpu.dma_semaphore, #tpu.memory_space<semaphore_mem>>) src(%arg15 : memref<96x16xf32, #tpu.memory_space<vmem>>) dst(%dma_wait3A_285 : memref<96x16xf32, #tpu.memory_space<vmem_shared>>)
      %dma_wait3A_286 = arith.constant 0 : i32
      %dma_wait3A_287 = tpu.memref_slice %arg6[%add3A_199, %dma_wait3A_286] : memref<10000x128xf32, #tpu.memory_space<vmem_shared>> -> memref<96x128xf32, #tpu.memory_space<vmem_shared>>
      %dma_wait3A_288 = arith.constant 0 : i32
      %dma_wait3A_289 = tpu.memref_slice %arg6[%add3A_199, %dma_wait3A_288] : memref<10000x128xf32, #tpu.memory_space<vmem_shared>> -> memref<96x128xf32, #tpu.memory_space<vmem_shared>>
      tpu.wait_dma2 semaphore(%arg29 : memref<!tpu.dma_semaphore, #tpu.memory_space<semaphore_mem>>) src(%arg8 : memref<96x128xf32, #tpu.memory_space<vmem>>) dst(%dma_wait3A_289 : memref<96x128xf32, #tpu.memory_space<vmem_shared>>)
      %dma_wait3A_290 = arith.constant 0 : i32
      %dma_wait3A_291 = tpu.memref_slice %arg7[%add3A_205, %dma_wait3A_290] : memref<10000x16xf32, #tpu.memory_space<vmem_shared>> -> memref<96x16xf32, #tpu.memory_space<vmem_shared>>
      %dma_wait3A_292 = arith.constant 0 : i32
      %dma_wait3A_293 = tpu.memref_slice %arg7[%add3A_205, %dma_wait3A_292] : memref<10000x16xf32, #tpu.memory_space<vmem_shared>> -> memref<96x16xf32, #tpu.memory_space<vmem_shared>>
      tpu.wait_dma2 semaphore(%arg29 : memref<!tpu.dma_semaphore, #tpu.memory_space<semaphore_mem>>) src(%arg15 : memref<96x16xf32, #tpu.memory_space<vmem>>) dst(%dma_wait3A_293 : memref<96x16xf32, #tpu.memory_space<vmem_shared>>)
      %dma_wait3A_294 = arith.constant 0 : i32
      %dma_wait3A_295 = tpu.memref_slice %arg6[%add3A_211, %dma_wait3A_294] : memref<10000x128xf32, #tpu.memory_space<vmem_shared>> -> memref<96x128xf32, #tpu.memory_space<vmem_shared>>
      %dma_wait3A_296 = arith.constant 0 : i32
      %dma_wait3A_297 = tpu.memref_slice %arg6[%add3A_211, %dma_wait3A_296] : memref<10000x128xf32, #tpu.memory_space<vmem_shared>> -> memref<96x128xf32, #tpu.memory_space<vmem_shared>>
      tpu.wait_dma2 semaphore(%arg29 : memref<!tpu.dma_semaphore, #tpu.memory_space<semaphore_mem>>) src(%arg8 : memref<96x128xf32, #tpu.memory_space<vmem>>) dst(%dma_wait3A_297 : memref<96x128xf32, #tpu.memory_space<vmem_shared>>)
      %dma_wait3A_298 = arith.constant 0 : i32
      %dma_wait3A_299 = tpu.memref_slice %arg7[%add3A_217, %dma_wait3A_298] : memref<10000x16xf32, #tpu.memory_space<vmem_shared>> -> memref<96x16xf32, #tpu.memory_space<vmem_shared>>
      %dma_wait3A_300 = arith.constant 0 : i32
      %dma_wait3A_301 = tpu.memref_slice %arg7[%add3A_217, %dma_wait3A_300] : memref<10000x16xf32, #tpu.memory_space<vmem_shared>> -> memref<96x16xf32, #tpu.memory_space<vmem_shared>>
      tpu.wait_dma2 semaphore(%arg29 : memref<!tpu.dma_semaphore, #tpu.memory_space<semaphore_mem>>) src(%arg15 : memref<96x16xf32, #tpu.memory_space<vmem>>) dst(%dma_wait3A_301 : memref<96x16xf32, #tpu.memory_space<vmem_shared>>)
      %dma_wait3A_302 = arith.constant 0 : i32
      %dma_wait3A_303 = tpu.memref_slice %arg6[%add3A_223, %dma_wait3A_302] : memref<10000x128xf32, #tpu.memory_space<vmem_shared>> -> memref<96x128xf32, #tpu.memory_space<vmem_shared>>
      %dma_wait3A_304 = arith.constant 0 : i32
      %dma_wait3A_305 = tpu.memref_slice %arg6[%add3A_223, %dma_wait3A_304] : memref<10000x128xf32, #tpu.memory_space<vmem_shared>> -> memref<96x128xf32, #tpu.memory_space<vmem_shared>>
      tpu.wait_dma2 semaphore(%arg29 : memref<!tpu.dma_semaphore, #tpu.memory_space<semaphore_mem>>) src(%arg8 : memref<96x128xf32, #tpu.memory_space<vmem>>) dst(%dma_wait3A_305 : memref<96x128xf32, #tpu.memory_space<vmem_shared>>)
      %dma_wait3A_306 = arith.constant 0 : i32
      %dma_wait3A_307 = tpu.memref_slice %arg7[%add3A_229, %dma_wait3A_306] : memref<10000x16xf32, #tpu.memory_space<vmem_shared>> -> memref<96x16xf32, #tpu.memory_space<vmem_shared>>
      %dma_wait3A_308 = arith.constant 0 : i32
      %dma_wait3A_309 = tpu.memref_slice %arg7[%add3A_229, %dma_wait3A_308] : memref<10000x16xf32, #tpu.memory_space<vmem_shared>> -> memref<96x16xf32, #tpu.memory_space<vmem_shared>>
      tpu.wait_dma2 semaphore(%arg29 : memref<!tpu.dma_semaphore, #tpu.memory_space<semaphore_mem>>) src(%arg15 : memref<96x16xf32, #tpu.memory_space<vmem>>) dst(%dma_wait3A_309 : memref<96x16xf32, #tpu.memory_space<vmem_shared>>)
      %dma_wait3A_310 = arith.constant 0 : i32
      %dma_wait3A_311 = tpu.memref_slice %arg6[%add3A_235, %dma_wait3A_310] : memref<10000x128xf32, #tpu.memory_space<vmem_shared>> -> memref<96x128xf32, #tpu.memory_space<vmem_shared>>
      %dma_wait3A_312 = arith.constant 0 : i32
      %dma_wait3A_313 = tpu.memref_slice %arg6[%add3A_235, %dma_wait3A_312] : memref<10000x128xf32, #tpu.memory_space<vmem_shared>> -> memref<96x128xf32, #tpu.memory_space<vmem_shared>>
      tpu.wait_dma2 semaphore(%arg29 : memref<!tpu.dma_semaphore, #tpu.memory_space<semaphore_mem>>) src(%arg8 : memref<96x128xf32, #tpu.memory_space<vmem>>) dst(%dma_wait3A_313 : memref<96x128xf32, #tpu.memory_space<vmem_shared>>)
      %dma_wait3A_314 = arith.constant 0 : i32
      %dma_wait3A_315 = tpu.memref_slice %arg7[%add3A_241, %dma_wait3A_314] : memref<10000x16xf32, #tpu.memory_space<vmem_shared>> -> memref<96x16xf32, #tpu.memory_space<vmem_shared>>
      %dma_wait3A_316 = arith.constant 0 : i32
      %dma_wait3A_317 = tpu.memref_slice %arg7[%add3A_241, %dma_wait3A_316] : memref<10000x16xf32, #tpu.memory_space<vmem_shared>> -> memref<96x16xf32, #tpu.memory_space<vmem_shared>>
      tpu.wait_dma2 semaphore(%arg29 : memref<!tpu.dma_semaphore, #tpu.memory_space<semaphore_mem>>) src(%arg15 : memref<96x16xf32, #tpu.memory_space<vmem>>) dst(%dma_wait3A_317 : memref<96x16xf32, #tpu.memory_space<vmem_shared>>)
      %dma_wait3A_318 = arith.constant 0 : i32
      %dma_wait3A_319 = arith.constant 0 : i32
      %dma_wait3A_320 = tpu.memref_slice %arg8[%dma_wait3A_318, %dma_wait3A_319] : memref<96x128xf32, #tpu.memory_space<vmem>> -> memref<64x128xf32, #tpu.memory_space<vmem>>
      %dma_wait3A_321 = arith.constant 0 : i32
      %dma_wait3A_322 = tpu.memref_slice %arg6[%add3A_247, %dma_wait3A_321] : memref<10000x128xf32, #tpu.memory_space<vmem_shared>> -> memref<64x128xf32, #tpu.memory_space<vmem_shared>>
      %dma_wait3A_323 = arith.constant 0 : i32
      %dma_wait3A_324 = tpu.memref_slice %arg6[%add3A_247, %dma_wait3A_323] : memref<10000x128xf32, #tpu.memory_space<vmem_shared>> -> memref<64x128xf32, #tpu.memory_space<vmem_shared>>
      %dma_wait3A_325 = arith.constant 0 : i32
      %dma_wait3A_326 = arith.constant 0 : i32
      %dma_wait3A_327 = tpu.memref_slice %arg8[%dma_wait3A_325, %dma_wait3A_326] : memref<96x128xf32, #tpu.memory_space<vmem>> -> memref<64x128xf32, #tpu.memory_space<vmem>>
      tpu.wait_dma2 semaphore(%arg29 : memref<!tpu.dma_semaphore, #tpu.memory_space<semaphore_mem>>) src(%dma_wait3A_327 : memref<64x128xf32, #tpu.memory_space<vmem>>) dst(%dma_wait3A_324 : memref<64x128xf32, #tpu.memory_space<vmem_shared>>)
      %dma_wait3A_328 = arith.constant 0 : i32
      %dma_wait3A_329 = arith.constant 0 : i32
      %dma_wait3A_330 = tpu.memref_slice %arg15[%dma_wait3A_328, %dma_wait3A_329] : memref<96x16xf32, #tpu.memory_space<vmem>> -> memref<64x16xf32, #tpu.memory_space<vmem>>
      %dma_wait3A_331 = arith.constant 0 : i32
      %dma_wait3A_332 = tpu.memref_slice %arg7[%add3A_259, %dma_wait3A_331] : memref<10000x16xf32, #tpu.memory_space<vmem_shared>> -> memref<64x16xf32, #tpu.memory_space<vmem_shared>>
      %dma_wait3A_333 = arith.constant 0 : i32
      %dma_wait3A_334 = tpu.memref_slice %arg7[%add3A_259, %dma_wait3A_333] : memref<10000x16xf32, #tpu.memory_space<vmem_shared>> -> memref<64x16xf32, #tpu.memory_space<vmem_shared>>
      %dma_wait3A_335 = arith.constant 0 : i32
      %dma_wait3A_336 = arith.constant 0 : i32
      %dma_wait3A_337 = tpu.memref_slice %arg15[%dma_wait3A_335, %dma_wait3A_336] : memref<96x16xf32, #tpu.memory_space<vmem>> -> memref<64x16xf32, #tpu.memory_space<vmem>>
      tpu.wait_dma2 semaphore(%arg29 : memref<!tpu.dma_semaphore, #tpu.memory_space<semaphore_mem>>) src(%dma_wait3A_337 : memref<64x16xf32, #tpu.memory_space<vmem>>) dst(%dma_wait3A_334 : memref<64x16xf32, #tpu.memory_space<vmem_shared>>)
    } else {
    }
    %add3A_33 = arith.constant 0 : i32
    %add3A_34 = arith.addi %mul3A_2, %add3A_33 : i32
    %dma_start3A_35 = arith.constant 0 : i32
    %dma_start3A_36 = tpu.memref_slice %arg2[%add3A_34, %dma_start3A_35] : memref<320000x128xf32, #tpu.memory_space<hbm>> -> memref<96x128xf32, #tpu.memory_space<hbm>>
    %dma_start3A_37 = arith.constant 0 : i32
    %dma_start3A_38 = tpu.memref_slice %arg2[%add3A_34, %dma_start3A_37] : memref<320000x128xf32, #tpu.memory_space<hbm>> -> memref<96x128xf32, #tpu.memory_space<hbm>>
    tpu.enqueue_dma source(%dma_start3A_38 : memref<96x128xf32, #tpu.memory_space<hbm>>) target(%arg8 : memref<96x128xf32, #tpu.memory_space<vmem>>) target_semaphore(%arg17 : memref<!tpu.dma_semaphore, #tpu.memory_space<semaphore_mem>>)
    %dma_start3A_39 = tpu.memref_slice %arg3[%add3A_34] : memref<320000xi32, #tpu.memory_space<hbm>> -> memref<96xi32, #tpu.memory_space<hbm>>
    %dma_start3A_40 = tpu.memref_slice %arg3[%add3A_34] : memref<320000xi32, #tpu.memory_space<hbm>> -> memref<96xi32, #tpu.memory_space<hbm>>
    tpu.enqueue_dma source(%dma_start3A_40 : memref<96xi32, #tpu.memory_space<hbm>>) target(%arg11 : memref<96xi32, #tpu.memory_space<vmem>>) target_semaphore(%arg20 : memref<!tpu.dma_semaphore, #tpu.memory_space<semaphore_mem>>)
    %barrier3A = arith.constant 0 : index
    tpu.barrier barrier_id(%barrier3A)
    %add3A_41 = arith.constant 0 : i32
    %add3A_42 = arith.addi %mul3A_2, %add3A_41 : i32
    %dma_wait3A = arith.constant 0 : i32
    %dma_wait3A_43 = tpu.memref_slice %arg2[%add3A_42, %dma_wait3A] : memref<320000x128xf32, #tpu.memory_space<hbm>> -> memref<96x128xf32, #tpu.memory_space<hbm>>
    %dma_wait3A_44 = arith.constant 0 : i32
    %dma_wait3A_45 = tpu.memref_slice %arg2[%add3A_42, %dma_wait3A_44] : memref<320000x128xf32, #tpu.memory_space<hbm>> -> memref<96x128xf32, #tpu.memory_space<hbm>>
    tpu.wait_dma2 semaphore(%arg17 : memref<!tpu.dma_semaphore, #tpu.memory_space<semaphore_mem>>) src(%dma_wait3A_45 : memref<96x128xf32, #tpu.memory_space<hbm>>) dst(%arg8 : memref<96x128xf32, #tpu.memory_space<vmem>>)
    %dma_wait3A_46 = tpu.memref_slice %arg3[%add3A_42] : memref<320000xi32, #tpu.memory_space<hbm>> -> memref<96xi32, #tpu.memory_space<hbm>>
    %dma_wait3A_47 = tpu.memref_slice %arg3[%add3A_42] : memref<320000xi32, #tpu.memory_space<hbm>> -> memref<96xi32, #tpu.memory_space<hbm>>
    tpu.wait_dma2 semaphore(%arg20 : memref<!tpu.dma_semaphore, #tpu.memory_space<semaphore_mem>>) src(%dma_wait3A_47 : memref<96xi32, #tpu.memory_space<hbm>>) dst(%arg11 : memref<96xi32, #tpu.memory_space<vmem>>)
    %dma_start3A_48 = arith.constant 0 : i32
    %dma_start3A_49 = arith.constant 0 : i32
    %dma_start3A_50 = tpu.memref_slice %arg6[%dma_start3A_48, %dma_start3A_49] : memref<10000x128xf32, #tpu.memory_space<vmem_shared>> -> memref<10000x128xf32, #tpu.memory_space<vmem_shared>>
    tpu.enqueue_indirect_dma source(%arg8 : memref<96x128xf32, #tpu.memory_space<vmem>>) target(%dma_start3A_50 : memref<10000x128xf32, #tpu.memory_space<vmem_shared>>) offsets(%arg11 : memref<96xi32, #tpu.memory_space<vmem>>) semaphore(%arg23 : memref<!tpu.dma_semaphore, #tpu.memory_space<semaphore_mem>>) {add = true}
    %dma_start3A_51 = arith.constant 0 : i32
    %dma_start3A_52 = arith.constant 0 : i32
    %dma_start3A_53 = tpu.memref_slice %arg7[%dma_start3A_51, %dma_start3A_52] : memref<10000x16xf32, #tpu.memory_space<vmem_shared>> -> memref<10000x16xf32, #tpu.memory_space<vmem_shared>>
    tpu.enqueue_indirect_dma source(%arg14 : memref<96x16xf32, #tpu.memory_space<vmem>>) target(%dma_start3A_53 : memref<10000x16xf32, #tpu.memory_space<vmem_shared>>) offsets(%arg11 : memref<96xi32, #tpu.memory_space<vmem>>) semaphore(%arg26 : memref<!tpu.dma_semaphore, #tpu.memory_space<semaphore_mem>>) {add = true}
    %add3A_54 = arith.constant 96 : i32
    %add3A_55 = arith.addi %mul3A_2, %add3A_54 : i32
    %dma_wait3A_56 = arith.constant 0 : i32
    %dma_wait3A_57 = tpu.memref_slice %arg2[%add3A_55, %dma_wait3A_56] : memref<320000x128xf32, #tpu.memory_space<hbm>> -> memref<96x128xf32, #tpu.memory_space<hbm>>
    %dma_wait3A_58 = arith.constant 0 : i32
    %dma_wait3A_59 = tpu.memref_slice %arg2[%add3A_55, %dma_wait3A_58] : memref<320000x128xf32, #tpu.memory_space<hbm>> -> memref<96x128xf32, #tpu.memory_space<hbm>>
    tpu.wait_dma2 semaphore(%arg18 : memref<!tpu.dma_semaphore, #tpu.memory_space<semaphore_mem>>) src(%dma_wait3A_59 : memref<96x128xf32, #tpu.memory_space<hbm>>) dst(%arg9 : memref<96x128xf32, #tpu.memory_space<vmem>>)
    %dma_wait3A_60 = tpu.memref_slice %arg3[%add3A_55] : memref<320000xi32, #tpu.memory_space<hbm>> -> memref<96xi32, #tpu.memory_space<hbm>>
    %dma_wait3A_61 = tpu.memref_slice %arg3[%add3A_55] : memref<320000xi32, #tpu.memory_space<hbm>> -> memref<96xi32, #tpu.memory_space<hbm>>
    tpu.wait_dma2 semaphore(%arg21 : memref<!tpu.dma_semaphore, #tpu.memory_space<semaphore_mem>>) src(%dma_wait3A_61 : memref<96xi32, #tpu.memory_space<hbm>>) dst(%arg12 : memref<96xi32, #tpu.memory_space<vmem>>)
    %dma_start3A_62 = arith.constant 0 : i32
    %dma_start3A_63 = arith.constant 0 : i32
    %dma_start3A_64 = tpu.memref_slice %arg6[%dma_start3A_62, %dma_start3A_63] : memref<10000x128xf32, #tpu.memory_space<vmem_shared>> -> memref<10000x128xf32, #tpu.memory_space<vmem_shared>>
    tpu.enqueue_indirect_dma source(%arg9 : memref<96x128xf32, #tpu.memory_space<vmem>>) target(%dma_start3A_64 : memref<10000x128xf32, #tpu.memory_space<vmem_shared>>) offsets(%arg12 : memref<96xi32, #tpu.memory_space<vmem>>) semaphore(%arg24 : memref<!tpu.dma_semaphore, #tpu.memory_space<semaphore_mem>>) {add = true}
    %dma_start3A_65 = arith.constant 0 : i32
    %dma_start3A_66 = arith.constant 0 : i32
    %dma_start3A_67 = tpu.memref_slice %arg7[%dma_start3A_65, %dma_start3A_66] : memref<10000x16xf32, #tpu.memory_space<vmem_shared>> -> memref<10000x16xf32, #tpu.memory_space<vmem_shared>>
    tpu.enqueue_indirect_dma source(%arg14 : memref<96x16xf32, #tpu.memory_space<vmem>>) target(%dma_start3A_67 : memref<10000x16xf32, #tpu.memory_space<vmem_shared>>) offsets(%arg12 : memref<96xi32, #tpu.memory_space<vmem>>) semaphore(%arg27 : memref<!tpu.dma_semaphore, #tpu.memory_space<semaphore_mem>>) {add = true}
    %dma_wait3A_68 = arith.constant 0 : i32
    %dma_wait3A_69 = arith.constant 0 : i32
    %dma_wait3A_70 = tpu.memref_slice %arg6[%dma_wait3A_68, %dma_wait3A_69] : memref<10000x128xf32, #tpu.memory_space<vmem_shared>> -> memref<10000x128xf32, #tpu.memory_space<vmem_shared>>
    tpu.wait_indirect_dma semaphore(%arg23 : memref<!tpu.dma_semaphore, #tpu.memory_space<semaphore_mem>>) src(%arg8 : memref<96x128xf32, #tpu.memory_space<vmem>>) dst(%dma_wait3A_70 : memref<10000x128xf32, #tpu.memory_space<vmem_shared>>)
    %dma_wait3A_71 = arith.constant 0 : i32
    %dma_wait3A_72 = arith.constant 0 : i32
    %dma_wait3A_73 = tpu.memref_slice %arg7[%dma_wait3A_71, %dma_wait3A_72] : memref<10000x16xf32, #tpu.memory_space<vmem_shared>> -> memref<10000x16xf32, #tpu.memory_space<vmem_shared>>
    tpu.wait_indirect_dma semaphore(%arg26 : memref<!tpu.dma_semaphore, #tpu.memory_space<semaphore_mem>>) src(%arg14 : memref<96x16xf32, #tpu.memory_space<vmem>>) dst(%dma_wait3A_73 : memref<10000x16xf32, #tpu.memory_space<vmem_shared>>)
    %add3A_74 = arith.constant 288 : i32
    %add3A_75 = arith.addi %mul3A_2, %add3A_74 : i32
    %dma_start3A_76 = arith.constant 0 : i32
    %dma_start3A_77 = tpu.memref_slice %arg2[%add3A_75, %dma_start3A_76] : memref<320000x128xf32, #tpu.memory_space<hbm>> -> memref<96x128xf32, #tpu.memory_space<hbm>>
    %dma_start3A_78 = arith.constant 0 : i32
    %dma_start3A_79 = tpu.memref_slice %arg2[%add3A_75, %dma_start3A_78] : memref<320000x128xf32, #tpu.memory_space<hbm>> -> memref<96x128xf32, #tpu.memory_space<hbm>>
    tpu.enqueue_dma source(%dma_start3A_79 : memref<96x128xf32, #tpu.memory_space<hbm>>) target(%arg8 : memref<96x128xf32, #tpu.memory_space<vmem>>) target_semaphore(%arg17 : memref<!tpu.dma_semaphore, #tpu.memory_space<semaphore_mem>>)
    %dma_start3A_80 = tpu.memref_slice %arg3[%add3A_75] : memref<320000xi32, #tpu.memory_space<hbm>> -> memref<96xi32, #tpu.memory_space<hbm>>
    %dma_start3A_81 = tpu.memref_slice %arg3[%add3A_75] : memref<320000xi32, #tpu.memory_space<hbm>> -> memref<96xi32, #tpu.memory_space<hbm>>
    tpu.enqueue_dma source(%dma_start3A_81 : memref<96xi32, #tpu.memory_space<hbm>>) target(%arg11 : memref<96xi32, #tpu.memory_space<vmem>>) target_semaphore(%arg20 : memref<!tpu.dma_semaphore, #tpu.memory_space<semaphore_mem>>)
    %add3A_82 = arith.constant 192 : i32
    %add3A_83 = arith.addi %mul3A_2, %add3A_82 : i32
    %dma_wait3A_84 = arith.constant 0 : i32
    %dma_wait3A_85 = tpu.memref_slice %arg2[%add3A_83, %dma_wait3A_84] : memref<320000x128xf32, #tpu.memory_space<hbm>> -> memref<96x128xf32, #tpu.memory_space<hbm>>
    %dma_wait3A_86 = arith.constant 0 : i32
    %dma_wait3A_87 = tpu.memref_slice %arg2[%add3A_83, %dma_wait3A_86] : memref<320000x128xf32, #tpu.memory_space<hbm>> -> memref<96x128xf32, #tpu.memory_space<hbm>>
    tpu.wait_dma2 semaphore(%arg19 : memref<!tpu.dma_semaphore, #tpu.memory_space<semaphore_mem>>) src(%dma_wait3A_87 : memref<96x128xf32, #tpu.memory_space<hbm>>) dst(%arg10 : memref<96x128xf32, #tpu.memory_space<vmem>>)
    %dma_wait3A_88 = tpu.memref_slice %arg3[%add3A_83] : memref<320000xi32, #tpu.memory_space<hbm>> -> memref<96xi32, #tpu.memory_space<hbm>>
    %dma_wait3A_89 = tpu.memref_slice %arg3[%add3A_83] : memref<320000xi32, #tpu.memory_space<hbm>> -> memref<96xi32, #tpu.memory_space<hbm>>
    tpu.wait_dma2 semaphore(%arg22 : memref<!tpu.dma_semaphore, #tpu.memory_space<semaphore_mem>>) src(%dma_wait3A_89 : memref<96xi32, #tpu.memory_space<hbm>>) dst(%arg13 : memref<96xi32, #tpu.memory_space<vmem>>)
    %dma_start3A_90 = arith.constant 0 : i32
    %dma_start3A_91 = arith.constant 0 : i32
    %dma_start3A_92 = tpu.memref_slice %arg6[%dma_start3A_90, %dma_start3A_91] : memref<10000x128xf32, #tpu.memory_space<vmem_shared>> -> memref<10000x128xf32, #tpu.memory_space<vmem_shared>>
    tpu.enqueue_indirect_dma source(%arg10 : memref<96x128xf32, #tpu.memory_space<vmem>>) target(%dma_start3A_92 : memref<10000x128xf32, #tpu.memory_space<vmem_shared>>) offsets(%arg13 : memref<96xi32, #tpu.memory_space<vmem>>) semaphore(%arg25 : memref<!tpu.dma_semaphore, #tpu.memory_space<semaphore_mem>>) {add = true}
    %dma_start3A_93 = arith.constant 0 : i32
    %dma_start3A_94 = arith.constant 0 : i32
    %dma_start3A_95 = tpu.memref_slice %arg7[%dma_start3A_93, %dma_start3A_94] : memref<10000x16xf32, #tpu.memory_space<vmem_shared>> -> memref<10000x16xf32, #tpu.memory_space<vmem_shared>>
    tpu.enqueue_indirect_dma source(%arg14 : memref<96x16xf32, #tpu.memory_space<vmem>>) target(%dma_start3A_95 : memref<10000x16xf32, #tpu.memory_space<vmem_shared>>) offsets(%arg13 : memref<96xi32, #tpu.memory_space<vmem>>) semaphore(%arg28 : memref<!tpu.dma_semaphore, #tpu.memory_space<semaphore_mem>>) {add = true}
    %dma_wait3A_96 = arith.constant 0 : i32
    %dma_wait3A_97 = arith.constant 0 : i32
    %dma_wait3A_98 = tpu.memref_slice %arg6[%dma_wait3A_96, %dma_wait3A_97] : memref<10000x128xf32, #tpu.memory_space<vmem_shared>> -> memref<10000x128xf32, #tpu.memory_space<vmem_shared>>
    tpu.wait_indirect_dma semaphore(%arg24 : memref<!tpu.dma_semaphore, #tpu.memory_space<semaphore_mem>>) src(%arg9 : memref<96x128xf32, #tpu.memory_space<vmem>>) dst(%dma_wait3A_98 : memref<10000x128xf32, #tpu.memory_space<vmem_shared>>)
    %dma_wait3A_99 = arith.constant 0 : i32
    %dma_wait3A_100 = arith.constant 0 : i32
    %dma_wait3A_101 = tpu.memref_slice %arg7[%dma_wait3A_99, %dma_wait3A_100] : memref<10000x16xf32, #tpu.memory_space<vmem_shared>> -> memref<10000x16xf32, #tpu.memory_space<vmem_shared>>
    tpu.wait_indirect_dma semaphore(%arg27 : memref<!tpu.dma_semaphore, #tpu.memory_space<semaphore_mem>>) src(%arg14 : memref<96x16xf32, #tpu.memory_space<vmem>>) dst(%dma_wait3A_101 : memref<10000x16xf32, #tpu.memory_space<vmem_shared>>)
    %add3A_102 = arith.constant 384 : i32
    %add3A_103 = arith.addi %mul3A_2, %add3A_102 : i32
    %dma_start3A_104 = arith.constant 0 : i32
    %dma_start3A_105 = tpu.memref_slice %arg2[%add3A_103, %dma_start3A_104] : memref<320000x128xf32, #tpu.memory_space<hbm>> -> memref<96x128xf32, #tpu.memory_space<hbm>>
    %dma_start3A_106 = arith.constant 0 : i32
    %dma_start3A_107 = tpu.memref_slice %arg2[%add3A_103, %dma_start3A_106] : memref<320000x128xf32, #tpu.memory_space<hbm>> -> memref<96x128xf32, #tpu.memory_space<hbm>>
    tpu.enqueue_dma source(%dma_start3A_107 : memref<96x128xf32, #tpu.memory_space<hbm>>) target(%arg9 : memref<96x128xf32, #tpu.memory_space<vmem>>) target_semaphore(%arg18 : memref<!tpu.dma_semaphore, #tpu.memory_space<semaphore_mem>>)
    %dma_start3A_108 = tpu.memref_slice %arg3[%add3A_103] : memref<320000xi32, #tpu.memory_space<hbm>> -> memref<96xi32, #tpu.memory_space<hbm>>
    %dma_start3A_109 = tpu.memref_slice %arg3[%add3A_103] : memref<320000xi32, #tpu.memory_space<hbm>> -> memref<96xi32, #tpu.memory_space<hbm>>
    tpu.enqueue_dma source(%dma_start3A_109 : memref<96xi32, #tpu.memory_space<hbm>>) target(%arg12 : memref<96xi32, #tpu.memory_space<vmem>>) target_semaphore(%arg21 : memref<!tpu.dma_semaphore, #tpu.memory_space<semaphore_mem>>)
    %scan3A_110 = arith.constant 0 : i32
    %scan3A_111 = arith.constant 33 : i32
    %scan3A_112 = arith.addi %scan3A_110, %scan3A_111 : i32
    %scan3A_113 = arith.constant 1 : i32
    scf.for %scan3A_174 = %scan3A_110 to %scan3A_112 step %scan3A_113  : i32 {
      %mul3A_175 = arith.constant 1 : i32
      %mul3A_176 = arith.muli %scan3A_174, %mul3A_175 : i32
      %add3A_177 = arith.constant 0 : i32
      %add3A_178 = arith.addi %add3A_177, %mul3A_176 : i32
      %mul3A_179 = arith.constant 3 : i32
      %mul3A_180 = arith.muli %mul3A_179, %add3A_178 : i32
      %add3A_181 = arith.constant 3 : i32
      %add3A_182 = arith.addi %add3A_181, %mul3A_180 : i32
      %add3A_183 = arith.constant 0 : i32
      %add3A_184 = arith.addi %add3A_182, %add3A_183 : i32
      %mul3A_185 = arith.constant 96 : i32
      %mul3A_186 = arith.muli %add3A_184, %mul3A_185 : i32
      %add3A_187 = arith.addi %mul3A_2, %mul3A_186 : i32
      %dma_wait3A_188 = arith.constant 0 : i32
      %dma_wait3A_189 = tpu.memref_slice %arg2[%add3A_187, %dma_wait3A_188] : memref<320000x128xf32, #tpu.memory_space<hbm>> -> memref<96x128xf32, #tpu.memory_space<hbm>>
      %dma_wait3A_190 = arith.constant 0 : i32
      %dma_wait3A_191 = tpu.memref_slice %arg2[%add3A_187, %dma_wait3A_190] : memref<320000x128xf32, #tpu.memory_space<hbm>> -> memref<96x128xf32, #tpu.memory_space<hbm>>
      tpu.wait_dma2 semaphore(%arg17 : memref<!tpu.dma_semaphore, #tpu.memory_space<semaphore_mem>>) src(%dma_wait3A_191 : memref<96x128xf32, #tpu.memory_space<hbm>>) dst(%arg8 : memref<96x128xf32, #tpu.memory_space<vmem>>)
      %dma_wait3A_192 = tpu.memref_slice %arg3[%add3A_187] : memref<320000xi32, #tpu.memory_space<hbm>> -> memref<96xi32, #tpu.memory_space<hbm>>
      %dma_wait3A_193 = tpu.memref_slice %arg3[%add3A_187] : memref<320000xi32, #tpu.memory_space<hbm>> -> memref<96xi32, #tpu.memory_space<hbm>>
      tpu.wait_dma2 semaphore(%arg20 : memref<!tpu.dma_semaphore, #tpu.memory_space<semaphore_mem>>) src(%dma_wait3A_193 : memref<96xi32, #tpu.memory_space<hbm>>) dst(%arg11 : memref<96xi32, #tpu.memory_space<vmem>>)
      %dma_start3A_194 = arith.constant 0 : i32
      %dma_start3A_195 = arith.constant 0 : i32
      %dma_start3A_196 = tpu.memref_slice %arg6[%dma_start3A_194, %dma_start3A_195] : memref<10000x128xf32, #tpu.memory_space<vmem_shared>> -> memref<10000x128xf32, #tpu.memory_space<vmem_shared>>
      tpu.enqueue_indirect_dma source(%arg8 : memref<96x128xf32, #tpu.memory_space<vmem>>) target(%dma_start3A_196 : memref<10000x128xf32, #tpu.memory_space<vmem_shared>>) offsets(%arg11 : memref<96xi32, #tpu.memory_space<vmem>>) semaphore(%arg23 : memref<!tpu.dma_semaphore, #tpu.memory_space<semaphore_mem>>) {add = true}
      %dma_start3A_197 = arith.constant 0 : i32
      %dma_start3A_198 = arith.constant 0 : i32
      %dma_start3A_199 = tpu.memref_slice %arg7[%dma_start3A_197, %dma_start3A_198] : memref<10000x16xf32, #tpu.memory_space<vmem_shared>> -> memref<10000x16xf32, #tpu.memory_space<vmem_shared>>
      tpu.enqueue_indirect_dma source(%arg14 : memref<96x16xf32, #tpu.memory_space<vmem>>) target(%dma_start3A_199 : memref<10000x16xf32, #tpu.memory_space<vmem_shared>>) offsets(%arg11 : memref<96xi32, #tpu.memory_space<vmem>>) semaphore(%arg26 : memref<!tpu.dma_semaphore, #tpu.memory_space<semaphore_mem>>) {add = true}
      %dma_wait3A_200 = arith.constant 0 : i32
      %dma_wait3A_201 = arith.constant 0 : i32
      %dma_wait3A_202 = tpu.memref_slice %arg6[%dma_wait3A_200, %dma_wait3A_201] : memref<10000x128xf32, #tpu.memory_space<vmem_shared>> -> memref<10000x128xf32, #tpu.memory_space<vmem_shared>>
      tpu.wait_indirect_dma semaphore(%arg25 : memref<!tpu.dma_semaphore, #tpu.memory_space<semaphore_mem>>) src(%arg10 : memref<96x128xf32, #tpu.memory_space<vmem>>) dst(%dma_wait3A_202 : memref<10000x128xf32, #tpu.memory_space<vmem_shared>>)
      %dma_wait3A_203 = arith.constant 0 : i32
      %dma_wait3A_204 = arith.constant 0 : i32
      %dma_wait3A_205 = tpu.memref_slice %arg7[%dma_wait3A_203, %dma_wait3A_204] : memref<10000x16xf32, #tpu.memory_space<vmem_shared>> -> memref<10000x16xf32, #tpu.memory_space<vmem_shared>>
      tpu.wait_indirect_dma semaphore(%arg28 : memref<!tpu.dma_semaphore, #tpu.memory_space<semaphore_mem>>) src(%arg14 : memref<96x16xf32, #tpu.memory_space<vmem>>) dst(%dma_wait3A_205 : memref<10000x16xf32, #tpu.memory_space<vmem_shared>>)
      %add3A_206 = arith.constant 2 : i32
      %add3A_207 = arith.addi %add3A_184, %add3A_206 : i32
      %mul3A_208 = arith.constant 96 : i32
      %mul3A_209 = arith.muli %add3A_207, %mul3A_208 : i32
      %add3A_210 = arith.addi %mul3A_2, %mul3A_209 : i32
      %dma_start3A_211 = arith.constant 0 : i32
      %dma_start3A_212 = tpu.memref_slice %arg2[%add3A_210, %dma_start3A_211] : memref<320000x128xf32, #tpu.memory_space<hbm>> -> memref<96x128xf32, #tpu.memory_space<hbm>>
      %dma_start3A_213 = arith.constant 0 : i32
      %dma_start3A_214 = tpu.memref_slice %arg2[%add3A_210, %dma_start3A_213] : memref<320000x128xf32, #tpu.memory_space<hbm>> -> memref<96x128xf32, #tpu.memory_space<hbm>>
      tpu.enqueue_dma source(%dma_start3A_214 : memref<96x128xf32, #tpu.memory_space<hbm>>) target(%arg10 : memref<96x128xf32, #tpu.memory_space<vmem>>) target_semaphore(%arg19 : memref<!tpu.dma_semaphore, #tpu.memory_space<semaphore_mem>>)
      %dma_start3A_215 = tpu.memref_slice %arg3[%add3A_210] : memref<320000xi32, #tpu.memory_space<hbm>> -> memref<96xi32, #tpu.memory_space<hbm>>
      %dma_start3A_216 = tpu.memref_slice %arg3[%add3A_210] : memref<320000xi32, #tpu.memory_space<hbm>> -> memref<96xi32, #tpu.memory_space<hbm>>
      tpu.enqueue_dma source(%dma_start3A_216 : memref<96xi32, #tpu.memory_space<hbm>>) target(%arg13 : memref<96xi32, #tpu.memory_space<vmem>>) target_semaphore(%arg22 : memref<!tpu.dma_semaphore, #tpu.memory_space<semaphore_mem>>)
      %add3A_217 = arith.constant 1 : i32
      %add3A_218 = arith.addi %add3A_182, %add3A_217 : i32
      %mul3A_219 = arith.constant 96 : i32
      %mul3A_220 = arith.muli %add3A_218, %mul3A_219 : i32
      %add3A_221 = arith.addi %mul3A_2, %mul3A_220 : i32
      %dma_wait3A_222 = arith.constant 0 : i32
      %dma_wait3A_223 = tpu.memref_slice %arg2[%add3A_221, %dma_wait3A_222] : memref<320000x128xf32, #tpu.memory_space<hbm>> -> memref<96x128xf32, #tpu.memory_space<hbm>>
      %dma_wait3A_224 = arith.constant 0 : i32
      %dma_wait3A_225 = tpu.memref_slice %arg2[%add3A_221, %dma_wait3A_224] : memref<320000x128xf32, #tpu.memory_space<hbm>> -> memref<96x128xf32, #tpu.memory_space<hbm>>
      tpu.wait_dma2 semaphore(%arg18 : memref<!tpu.dma_semaphore, #tpu.memory_space<semaphore_mem>>) src(%dma_wait3A_225 : memref<96x128xf32, #tpu.memory_space<hbm>>) dst(%arg9 : memref<96x128xf32, #tpu.memory_space<vmem>>)
      %dma_wait3A_226 = tpu.memref_slice %arg3[%add3A_221] : memref<320000xi32, #tpu.memory_space<hbm>> -> memref<96xi32, #tpu.memory_space<hbm>>
      %dma_wait3A_227 = tpu.memref_slice %arg3[%add3A_221] : memref<320000xi32, #tpu.memory_space<hbm>> -> memref<96xi32, #tpu.memory_space<hbm>>
      tpu.wait_dma2 semaphore(%arg21 : memref<!tpu.dma_semaphore, #tpu.memory_space<semaphore_mem>>) src(%dma_wait3A_227 : memref<96xi32, #tpu.memory_space<hbm>>) dst(%arg12 : memref<96xi32, #tpu.memory_space<vmem>>)
      %dma_start3A_228 = arith.constant 0 : i32
      %dma_start3A_229 = arith.constant 0 : i32
      %dma_start3A_230 = tpu.memref_slice %arg6[%dma_start3A_228, %dma_start3A_229] : memref<10000x128xf32, #tpu.memory_space<vmem_shared>> -> memref<10000x128xf32, #tpu.memory_space<vmem_shared>>
      tpu.enqueue_indirect_dma source(%arg9 : memref<96x128xf32, #tpu.memory_space<vmem>>) target(%dma_start3A_230 : memref<10000x128xf32, #tpu.memory_space<vmem_shared>>) offsets(%arg12 : memref<96xi32, #tpu.memory_space<vmem>>) semaphore(%arg24 : memref<!tpu.dma_semaphore, #tpu.memory_space<semaphore_mem>>) {add = true}
      %dma_start3A_231 = arith.constant 0 : i32
      %dma_start3A_232 = arith.constant 0 : i32
      %dma_start3A_233 = tpu.memref_slice %arg7[%dma_start3A_231, %dma_start3A_232] : memref<10000x16xf32, #tpu.memory_space<vmem_shared>> -> memref<10000x16xf32, #tpu.memory_space<vmem_shared>>
      tpu.enqueue_indirect_dma source(%arg14 : memref<96x16xf32, #tpu.memory_space<vmem>>) target(%dma_start3A_233 : memref<10000x16xf32, #tpu.memory_space<vmem_shared>>) offsets(%arg12 : memref<96xi32, #tpu.memory_space<vmem>>) semaphore(%arg27 : memref<!tpu.dma_semaphore, #tpu.memory_space<semaphore_mem>>) {add = true}
      %dma_wait3A_234 = arith.constant 0 : i32
      %dma_wait3A_235 = arith.constant 0 : i32
      %dma_wait3A_236 = tpu.memref_slice %arg6[%dma_wait3A_234, %dma_wait3A_235] : memref<10000x128xf32, #tpu.memory_space<vmem_shared>> -> memref<10000x128xf32, #tpu.memory_space<vmem_shared>>
      tpu.wait_indirect_dma semaphore(%arg23 : memref<!tpu.dma_semaphore, #tpu.memory_space<semaphore_mem>>) src(%arg8 : memref<96x128xf32, #tpu.memory_space<vmem>>) dst(%dma_wait3A_236 : memref<10000x128xf32, #tpu.memory_space<vmem_shared>>)
      %dma_wait3A_237 = arith.constant 0 : i32
      %dma_wait3A_238 = arith.constant 0 : i32
      %dma_wait3A_239 = tpu.memref_slice %arg7[%dma_wait3A_237, %dma_wait3A_238] : memref<10000x16xf32, #tpu.memory_space<vmem_shared>> -> memref<10000x16xf32, #tpu.memory_space<vmem_shared>>
      tpu.wait_indirect_dma semaphore(%arg26 : memref<!tpu.dma_semaphore, #tpu.memory_space<semaphore_mem>>) src(%arg14 : memref<96x16xf32, #tpu.memory_space<vmem>>) dst(%dma_wait3A_239 : memref<10000x16xf32, #tpu.memory_space<vmem_shared>>)
      %add3A_240 = arith.constant 2 : i32
      %add3A_241 = arith.addi %add3A_218, %add3A_240 : i32
      %mul3A_242 = arith.constant 96 : i32
      %mul3A_243 = arith.muli %add3A_241, %mul3A_242 : i32
      %add3A_244 = arith.addi %mul3A_2, %mul3A_243 : i32
      %dma_start3A_245 = arith.constant 0 : i32
      %dma_start3A_246 = tpu.memref_slice %arg2[%add3A_244, %dma_start3A_245] : memref<320000x128xf32, #tpu.memory_space<hbm>> -> memref<96x128xf32, #tpu.memory_space<hbm>>
      %dma_start3A_247 = arith.constant 0 : i32
      %dma_start3A_248 = tpu.memref_slice %arg2[%add3A_244, %dma_start3A_247] : memref<320000x128xf32, #tpu.memory_space<hbm>> -> memref<96x128xf32, #tpu.memory_space<hbm>>
      tpu.enqueue_dma source(%dma_start3A_248 : memref<96x128xf32, #tpu.memory_space<hbm>>) target(%arg8 : memref<96x128xf32, #tpu.memory_space<vmem>>) target_semaphore(%arg17 : memref<!tpu.dma_semaphore, #tpu.memory_space<semaphore_mem>>)
      %dma_start3A_249 = tpu.memref_slice %arg3[%add3A_244] : memref<320000xi32, #tpu.memory_space<hbm>> -> memref<96xi32, #tpu.memory_space<hbm>>
      %dma_start3A_250 = tpu.memref_slice %arg3[%add3A_244] : memref<320000xi32, #tpu.memory_space<hbm>> -> memref<96xi32, #tpu.memory_space<hbm>>
      tpu.enqueue_dma source(%dma_start3A_250 : memref<96xi32, #tpu.memory_space<hbm>>) target(%arg11 : memref<96xi32, #tpu.memory_space<vmem>>) target_semaphore(%arg20 : memref<!tpu.dma_semaphore, #tpu.memory_space<semaphore_mem>>)
      %add3A_251 = arith.constant 2 : i32
      %add3A_252 = arith.addi %add3A_182, %add3A_251 : i32
      %mul3A_253 = arith.constant 96 : i32
      %mul3A_254 = arith.muli %add3A_252, %mul3A_253 : i32
      %add3A_255 = arith.addi %mul3A_2, %mul3A_254 : i32
      %dma_wait3A_256 = arith.constant 0 : i32
      %dma_wait3A_257 = tpu.memref_slice %arg2[%add3A_255, %dma_wait3A_256] : memref<320000x128xf32, #tpu.memory_space<hbm>> -> memref<96x128xf32, #tpu.memory_space<hbm>>
      %dma_wait3A_258 = arith.constant 0 : i32
      %dma_wait3A_259 = tpu.memref_slice %arg2[%add3A_255, %dma_wait3A_258] : memref<320000x128xf32, #tpu.memory_space<hbm>> -> memref<96x128xf32, #tpu.memory_space<hbm>>
      tpu.wait_dma2 semaphore(%arg19 : memref<!tpu.dma_semaphore, #tpu.memory_space<semaphore_mem>>) src(%dma_wait3A_259 : memref<96x128xf32, #tpu.memory_space<hbm>>) dst(%arg10 : memref<96x128xf32, #tpu.memory_space<vmem>>)
      %dma_wait3A_260 = tpu.memref_slice %arg3[%add3A_255] : memref<320000xi32, #tpu.memory_space<hbm>> -> memref<96xi32, #tpu.memory_space<hbm>>
      %dma_wait3A_261 = tpu.memref_slice %arg3[%add3A_255] : memref<320000xi32, #tpu.memory_space<hbm>> -> memref<96xi32, #tpu.memory_space<hbm>>
      tpu.wait_dma2 semaphore(%arg22 : memref<!tpu.dma_semaphore, #tpu.memory_space<semaphore_mem>>) src(%dma_wait3A_261 : memref<96xi32, #tpu.memory_space<hbm>>) dst(%arg13 : memref<96xi32, #tpu.memory_space<vmem>>)
      %dma_start3A_262 = arith.constant 0 : i32
      %dma_start3A_263 = arith.constant 0 : i32
      %dma_start3A_264 = tpu.memref_slice %arg6[%dma_start3A_262, %dma_start3A_263] : memref<10000x128xf32, #tpu.memory_space<vmem_shared>> -> memref<10000x128xf32, #tpu.memory_space<vmem_shared>>
      tpu.enqueue_indirect_dma source(%arg10 : memref<96x128xf32, #tpu.memory_space<vmem>>) target(%dma_start3A_264 : memref<10000x128xf32, #tpu.memory_space<vmem_shared>>) offsets(%arg13 : memref<96xi32, #tpu.memory_space<vmem>>) semaphore(%arg25 : memref<!tpu.dma_semaphore, #tpu.memory_space<semaphore_mem>>) {add = true}
      %dma_start3A_265 = arith.constant 0 : i32
      %dma_start3A_266 = arith.constant 0 : i32
      %dma_start3A_267 = tpu.memref_slice %arg7[%dma_start3A_265, %dma_start3A_266] : memref<10000x16xf32, #tpu.memory_space<vmem_shared>> -> memref<10000x16xf32, #tpu.memory_space<vmem_shared>>
      tpu.enqueue_indirect_dma source(%arg14 : memref<96x16xf32, #tpu.memory_space<vmem>>) target(%dma_start3A_267 : memref<10000x16xf32, #tpu.memory_space<vmem_shared>>) offsets(%arg13 : memref<96xi32, #tpu.memory_space<vmem>>) semaphore(%arg28 : memref<!tpu.dma_semaphore, #tpu.memory_space<semaphore_mem>>) {add = true}
      %dma_wait3A_268 = arith.constant 0 : i32
      %dma_wait3A_269 = arith.constant 0 : i32
      %dma_wait3A_270 = tpu.memref_slice %arg6[%dma_wait3A_268, %dma_wait3A_269] : memref<10000x128xf32, #tpu.memory_space<vmem_shared>> -> memref<10000x128xf32, #tpu.memory_space<vmem_shared>>
      tpu.wait_indirect_dma semaphore(%arg24 : memref<!tpu.dma_semaphore, #tpu.memory_space<semaphore_mem>>) src(%arg9 : memref<96x128xf32, #tpu.memory_space<vmem>>) dst(%dma_wait3A_270 : memref<10000x128xf32, #tpu.memory_space<vmem_shared>>)
      %dma_wait3A_271 = arith.constant 0 : i32
      %dma_wait3A_272 = arith.constant 0 : i32
      %dma_wait3A_273 = tpu.memref_slice %arg7[%dma_wait3A_271, %dma_wait3A_272] : memref<10000x16xf32, #tpu.memory_space<vmem_shared>> -> memref<10000x16xf32, #tpu.memory_space<vmem_shared>>
      tpu.wait_indirect_dma semaphore(%arg27 : memref<!tpu.dma_semaphore, #tpu.memory_space<semaphore_mem>>) src(%arg14 : memref<96x16xf32, #tpu.memory_space<vmem>>) dst(%dma_wait3A_273 : memref<10000x16xf32, #tpu.memory_space<vmem_shared>>)
      %add3A_274 = arith.constant 2 : i32
      %add3A_275 = arith.addi %add3A_252, %add3A_274 : i32
      %mul3A_276 = arith.constant 96 : i32
      %mul3A_277 = arith.muli %add3A_275, %mul3A_276 : i32
      %add3A_278 = arith.addi %mul3A_2, %mul3A_277 : i32
      %dma_start3A_279 = arith.constant 0 : i32
      %dma_start3A_280 = tpu.memref_slice %arg2[%add3A_278, %dma_start3A_279] : memref<320000x128xf32, #tpu.memory_space<hbm>> -> memref<96x128xf32, #tpu.memory_space<hbm>>
      %dma_start3A_281 = arith.constant 0 : i32
      %dma_start3A_282 = tpu.memref_slice %arg2[%add3A_278, %dma_start3A_281] : memref<320000x128xf32, #tpu.memory_space<hbm>> -> memref<96x128xf32, #tpu.memory_space<hbm>>
      tpu.enqueue_dma source(%dma_start3A_282 : memref<96x128xf32, #tpu.memory_space<hbm>>) target(%arg9 : memref<96x128xf32, #tpu.memory_space<vmem>>) target_semaphore(%arg18 : memref<!tpu.dma_semaphore, #tpu.memory_space<semaphore_mem>>)
      %dma_start3A_283 = tpu.memref_slice %arg3[%add3A_278] : memref<320000xi32, #tpu.memory_space<hbm>> -> memref<96xi32, #tpu.memory_space<hbm>>
      %dma_start3A_284 = tpu.memref_slice %arg3[%add3A_278] : memref<320000xi32, #tpu.memory_space<hbm>> -> memref<96xi32, #tpu.memory_space<hbm>>
      tpu.enqueue_dma source(%dma_start3A_284 : memref<96xi32, #tpu.memory_space<hbm>>) target(%arg12 : memref<96xi32, #tpu.memory_space<vmem>>) target_semaphore(%arg21 : memref<!tpu.dma_semaphore, #tpu.memory_space<semaphore_mem>>)
    }
    %scan3A_114 = arith.constant 33 : i32
    %add3A_115 = arith.constant 9792 : i32
    %add3A_116 = arith.addi %mul3A_2, %add3A_115 : i32
    %dma_wait3A_117 = arith.constant 0 : i32
    %dma_wait3A_118 = tpu.memref_slice %arg2[%add3A_116, %dma_wait3A_117] : memref<320000x128xf32, #tpu.memory_space<hbm>> -> memref<96x128xf32, #tpu.memory_space<hbm>>
    %dma_wait3A_119 = arith.constant 0 : i32
    %dma_wait3A_120 = tpu.memref_slice %arg2[%add3A_116, %dma_wait3A_119] : memref<320000x128xf32, #tpu.memory_space<hbm>> -> memref<96x128xf32, #tpu.memory_space<hbm>>
    tpu.wait_dma2 semaphore(%arg17 : memref<!tpu.dma_semaphore, #tpu.memory_space<semaphore_mem>>) src(%dma_wait3A_120 : memref<96x128xf32, #tpu.memory_space<hbm>>) dst(%arg8 : memref<96x128xf32, #tpu.memory_space<vmem>>)
    %dma_wait3A_121 = tpu.memref_slice %arg3[%add3A_116] : memref<320000xi32, #tpu.memory_space<hbm>> -> memref<96xi32, #tpu.memory_space<hbm>>
    %dma_wait3A_122 = tpu.memref_slice %arg3[%add3A_116] : memref<320000xi32, #tpu.memory_space<hbm>> -> memref<96xi32, #tpu.memory_space<hbm>>
    tpu.wait_dma2 semaphore(%arg20 : memref<!tpu.dma_semaphore, #tpu.memory_space<semaphore_mem>>) src(%dma_wait3A_122 : memref<96xi32, #tpu.memory_space<hbm>>) dst(%arg11 : memref<96xi32, #tpu.memory_space<vmem>>)
    %dma_start3A_123 = arith.constant 0 : i32
    %dma_start3A_124 = arith.constant 0 : i32
    %dma_start3A_125 = tpu.memref_slice %arg6[%dma_start3A_123, %dma_start3A_124] : memref<10000x128xf32, #tpu.memory_space<vmem_shared>> -> memref<10000x128xf32, #tpu.memory_space<vmem_shared>>
    tpu.enqueue_indirect_dma source(%arg8 : memref<96x128xf32, #tpu.memory_space<vmem>>) target(%dma_start3A_125 : memref<10000x128xf32, #tpu.memory_space<vmem_shared>>) offsets(%arg11 : memref<96xi32, #tpu.memory_space<vmem>>) semaphore(%arg23 : memref<!tpu.dma_semaphore, #tpu.memory_space<semaphore_mem>>) {add = true}
    %dma_start3A_126 = arith.constant 0 : i32
    %dma_start3A_127 = arith.constant 0 : i32
    %dma_start3A_128 = tpu.memref_slice %arg7[%dma_start3A_126, %dma_start3A_127] : memref<10000x16xf32, #tpu.memory_space<vmem_shared>> -> memref<10000x16xf32, #tpu.memory_space<vmem_shared>>
    tpu.enqueue_indirect_dma source(%arg14 : memref<96x16xf32, #tpu.memory_space<vmem>>) target(%dma_start3A_128 : memref<10000x16xf32, #tpu.memory_space<vmem_shared>>) offsets(%arg11 : memref<96xi32, #tpu.memory_space<vmem>>) semaphore(%arg26 : memref<!tpu.dma_semaphore, #tpu.memory_space<semaphore_mem>>) {add = true}
    %dma_wait3A_129 = arith.constant 0 : i32
    %dma_wait3A_130 = arith.constant 0 : i32
    %dma_wait3A_131 = tpu.memref_slice %arg6[%dma_wait3A_129, %dma_wait3A_130] : memref<10000x128xf32, #tpu.memory_space<vmem_shared>> -> memref<10000x128xf32, #tpu.memory_space<vmem_shared>>
    tpu.wait_indirect_dma semaphore(%arg25 : memref<!tpu.dma_semaphore, #tpu.memory_space<semaphore_mem>>) src(%arg10 : memref<96x128xf32, #tpu.memory_space<vmem>>) dst(%dma_wait3A_131 : memref<10000x128xf32, #tpu.memory_space<vmem_shared>>)
    %dma_wait3A_132 = arith.constant 0 : i32
    %dma_wait3A_133 = arith.constant 0 : i32
    %dma_wait3A_134 = tpu.memref_slice %arg7[%dma_wait3A_132, %dma_wait3A_133] : memref<10000x16xf32, #tpu.memory_space<vmem_shared>> -> memref<10000x16xf32, #tpu.memory_space<vmem_shared>>
    tpu.wait_indirect_dma semaphore(%arg28 : memref<!tpu.dma_semaphore, #tpu.memory_space<semaphore_mem>>) src(%arg14 : memref<96x16xf32, #tpu.memory_space<vmem>>) dst(%dma_wait3A_134 : memref<10000x16xf32, #tpu.memory_space<vmem_shared>>)
    %add3A_135 = arith.constant 9888 : i32
    %add3A_136 = arith.addi %mul3A_2, %add3A_135 : i32
    %dma_wait3A_137 = arith.constant 0 : i32
    %dma_wait3A_138 = tpu.memref_slice %arg2[%add3A_136, %dma_wait3A_137] : memref<320000x128xf32, #tpu.memory_space<hbm>> -> memref<96x128xf32, #tpu.memory_space<hbm>>
    %dma_wait3A_139 = arith.constant 0 : i32
    %dma_wait3A_140 = tpu.memref_slice %arg2[%add3A_136, %dma_wait3A_139] : memref<320000x128xf32, #tpu.memory_space<hbm>> -> memref<96x128xf32, #tpu.memory_space<hbm>>
    tpu.wait_dma2 semaphore(%arg18 : memref<!tpu.dma_semaphore, #tpu.memory_space<semaphore_mem>>) src(%dma_wait3A_140 : memref<96x128xf32, #tpu.memory_space<hbm>>) dst(%arg9 : memref<96x128xf32, #tpu.memory_space<vmem>>)
    %dma_wait3A_141 = tpu.memref_slice %arg3[%add3A_136] : memref<320000xi32, #tpu.memory_space<hbm>> -> memref<96xi32, #tpu.memory_space<hbm>>
    %dma_wait3A_142 = tpu.memref_slice %arg3[%add3A_136] : memref<320000xi32, #tpu.memory_space<hbm>> -> memref<96xi32, #tpu.memory_space<hbm>>
    tpu.wait_dma2 semaphore(%arg21 : memref<!tpu.dma_semaphore, #tpu.memory_space<semaphore_mem>>) src(%dma_wait3A_142 : memref<96xi32, #tpu.memory_space<hbm>>) dst(%arg12 : memref<96xi32, #tpu.memory_space<vmem>>)
    %dma_start3A_143 = arith.constant 0 : i32
    %dma_start3A_144 = arith.constant 0 : i32
    %dma_start3A_145 = tpu.memref_slice %arg6[%dma_start3A_143, %dma_start3A_144] : memref<10000x128xf32, #tpu.memory_space<vmem_shared>> -> memref<10000x128xf32, #tpu.memory_space<vmem_shared>>
    tpu.enqueue_indirect_dma source(%arg9 : memref<96x128xf32, #tpu.memory_space<vmem>>) target(%dma_start3A_145 : memref<10000x128xf32, #tpu.memory_space<vmem_shared>>) offsets(%arg12 : memref<96xi32, #tpu.memory_space<vmem>>) semaphore(%arg24 : memref<!tpu.dma_semaphore, #tpu.memory_space<semaphore_mem>>) {add = true}
    %dma_start3A_146 = arith.constant 0 : i32
    %dma_start3A_147 = arith.constant 0 : i32
    %dma_start3A_148 = tpu.memref_slice %arg7[%dma_start3A_146, %dma_start3A_147] : memref<10000x16xf32, #tpu.memory_space<vmem_shared>> -> memref<10000x16xf32, #tpu.memory_space<vmem_shared>>
    tpu.enqueue_indirect_dma source(%arg14 : memref<96x16xf32, #tpu.memory_space<vmem>>) target(%dma_start3A_148 : memref<10000x16xf32, #tpu.memory_space<vmem_shared>>) offsets(%arg12 : memref<96xi32, #tpu.memory_space<vmem>>) semaphore(%arg27 : memref<!tpu.dma_semaphore, #tpu.memory_space<semaphore_mem>>) {add = true}
    %dma_wait3A_149 = arith.constant 0 : i32
    %dma_wait3A_150 = arith.constant 0 : i32
    %dma_wait3A_151 = tpu.memref_slice %arg6[%dma_wait3A_149, %dma_wait3A_150] : memref<10000x128xf32, #tpu.memory_space<vmem_shared>> -> memref<10000x128xf32, #tpu.memory_space<vmem_shared>>
    tpu.wait_indirect_dma semaphore(%arg23 : memref<!tpu.dma_semaphore, #tpu.memory_space<semaphore_mem>>) src(%arg8 : memref<96x128xf32, #tpu.memory_space<vmem>>) dst(%dma_wait3A_151 : memref<10000x128xf32, #tpu.memory_space<vmem_shared>>)
    %dma_wait3A_152 = arith.constant 0 : i32
    %dma_wait3A_153 = arith.constant 0 : i32
    %dma_wait3A_154 = tpu.memref_slice %arg7[%dma_wait3A_152, %dma_wait3A_153] : memref<10000x16xf32, #tpu.memory_space<vmem_shared>> -> memref<10000x16xf32, #tpu.memory_space<vmem_shared>>
    tpu.wait_indirect_dma semaphore(%arg26 : memref<!tpu.dma_semaphore, #tpu.memory_space<semaphore_mem>>) src(%arg14 : memref<96x16xf32, #tpu.memory_space<vmem>>) dst(%dma_wait3A_154 : memref<10000x16xf32, #tpu.memory_space<vmem_shared>>)
    %dma_wait3A_155 = arith.constant 0 : i32
    %dma_wait3A_156 = arith.constant 0 : i32
    %dma_wait3A_157 = tpu.memref_slice %arg6[%dma_wait3A_155, %dma_wait3A_156] : memref<10000x128xf32, #tpu.memory_space<vmem_shared>> -> memref<10000x128xf32, #tpu.memory_space<vmem_shared>>
    tpu.wait_indirect_dma semaphore(%arg24 : memref<!tpu.dma_semaphore, #tpu.memory_space<semaphore_mem>>) src(%arg9 : memref<96x128xf32, #tpu.memory_space<vmem>>) dst(%dma_wait3A_157 : memref<10000x128xf32, #tpu.memory_space<vmem_shared>>)
    %dma_wait3A_158 = arith.constant 0 : i32
    %dma_wait3A_159 = arith.constant 0 : i32
    %dma_wait3A_160 = tpu.memref_slice %arg7[%dma_wait3A_158, %dma_wait3A_159] : memref<10000x16xf32, #tpu.memory_space<vmem_shared>> -> memref<10000x16xf32, #tpu.memory_space<vmem_shared>>
    tpu.wait_indirect_dma semaphore(%arg27 : memref<!tpu.dma_semaphore, #tpu.memory_space<semaphore_mem>>) src(%arg14 : memref<96x16xf32, #tpu.memory_space<vmem>>) dst(%dma_wait3A_160 : memref<10000x16xf32, #tpu.memory_space<vmem_shared>>)
    %add3A_161 = arith.constant 9984 : i32
    %add3A_162 = arith.addi %mul3A_2, %add3A_161 : i32
    "tpu.region"() ({
      %run_scoped3A = tpu.sem_alloc : memref<!tpu.dma_semaphore, #tpu.memory_space<semaphore_mem>>
      %dma_start3A_174 = arith.constant 0 : i32
      %dma_start3A_175 = arith.constant 0 : i32
      %dma_start3A_176 = tpu.memref_slice %arg8[%dma_start3A_174, %dma_start3A_175] : memref<96x128xf32, #tpu.memory_space<vmem>> -> memref<16x128xf32, #tpu.memory_space<vmem>>
      %dma_start3A_177 = arith.constant 0 : i32
      %dma_start3A_178 = tpu.memref_slice %arg2[%add3A_162, %dma_start3A_177] : memref<320000x128xf32, #tpu.memory_space<hbm>> -> memref<16x128xf32, #tpu.memory_space<hbm>>
      %dma_start3A_179 = arith.constant 0 : i32
      %dma_start3A_180 = arith.constant 0 : i32
      %dma_start3A_181 = tpu.memref_slice %arg8[%dma_start3A_179, %dma_start3A_180] : memref<96x128xf32, #tpu.memory_space<vmem>> -> memref<16x128xf32, #tpu.memory_space<vmem>>
      %dma_start3A_182 = arith.constant 0 : i32
      %dma_start3A_183 = tpu.memref_slice %arg2[%add3A_162, %dma_start3A_182] : memref<320000x128xf32, #tpu.memory_space<hbm>> -> memref<16x128xf32, #tpu.memory_space<hbm>>
      tpu.enqueue_dma source(%dma_start3A_183 : memref<16x128xf32, #tpu.memory_space<hbm>>) target(%dma_start3A_181 : memref<16x128xf32, #tpu.memory_space<vmem>>) target_semaphore(%run_scoped3A : memref<!tpu.dma_semaphore, #tpu.memory_space<semaphore_mem>>)
      %dma_wait3A_184 = arith.constant 0 : i32
      %dma_wait3A_185 = arith.constant 0 : i32
      %dma_wait3A_186 = tpu.memref_slice %arg8[%dma_wait3A_184, %dma_wait3A_185] : memref<96x128xf32, #tpu.memory_space<vmem>> -> memref<16x128xf32, #tpu.memory_space<vmem>>
      %dma_wait3A_187 = arith.constant 0 : i32
      %dma_wait3A_188 = tpu.memref_slice %arg2[%add3A_162, %dma_wait3A_187] : memref<320000x128xf32, #tpu.memory_space<hbm>> -> memref<16x128xf32, #tpu.memory_space<hbm>>
      %dma_wait3A_189 = arith.constant 0 : i32
      %dma_wait3A_190 = arith.constant 0 : i32
      %dma_wait3A_191 = tpu.memref_slice %arg8[%dma_wait3A_189, %dma_wait3A_190] : memref<96x128xf32, #tpu.memory_space<vmem>> -> memref<16x128xf32, #tpu.memory_space<vmem>>
      %dma_wait3A_192 = arith.constant 0 : i32
      %dma_wait3A_193 = tpu.memref_slice %arg2[%add3A_162, %dma_wait3A_192] : memref<320000x128xf32, #tpu.memory_space<hbm>> -> memref<16x128xf32, #tpu.memory_space<hbm>>
      tpu.wait_dma2 semaphore(%run_scoped3A : memref<!tpu.dma_semaphore, #tpu.memory_space<semaphore_mem>>) src(%dma_wait3A_193 : memref<16x128xf32, #tpu.memory_space<hbm>>) dst(%dma_wait3A_191 : memref<16x128xf32, #tpu.memory_space<vmem>>)
      tpu.yield
    }) : () -> ()
    "tpu.region"() ({
      %run_scoped3A = tpu.sem_alloc : memref<!tpu.dma_semaphore, #tpu.memory_space<semaphore_mem>>
      %dma_start3A_174 = tpu.memref_slice %arg3[%add3A_162] : memref<320000xi32, #tpu.memory_space<hbm>> -> memref<16xi32, #tpu.memory_space<hbm>>
      %dma_start3A_175 = tpu.memref_slice %arg3[%add3A_162] : memref<320000xi32, #tpu.memory_space<hbm>> -> memref<16xi32, #tpu.memory_space<hbm>>
      tpu.enqueue_dma source(%dma_start3A_175 : memref<16xi32, #tpu.memory_space<hbm>>) target(%arg16 : memref<16xi32, #tpu.memory_space<vmem>>) target_semaphore(%run_scoped3A : memref<!tpu.dma_semaphore, #tpu.memory_space<semaphore_mem>>)
      %dma_wait3A_176 = tpu.memref_slice %arg3[%add3A_162] : memref<320000xi32, #tpu.memory_space<hbm>> -> memref<16xi32, #tpu.memory_space<hbm>>
      %dma_wait3A_177 = tpu.memref_slice %arg3[%add3A_162] : memref<320000xi32, #tpu.memory_space<hbm>> -> memref<16xi32, #tpu.memory_space<hbm>>
      tpu.wait_dma2 semaphore(%run_scoped3A : memref<!tpu.dma_semaphore, #tpu.memory_space<semaphore_mem>>) src(%dma_wait3A_177 : memref<16xi32, #tpu.memory_space<hbm>>) dst(%arg16 : memref<16xi32, #tpu.memory_space<vmem>>)
      tpu.yield
    }) : () -> ()
    "tpu.region"() ({
      %run_scoped3A = tpu.sem_alloc : memref<!tpu.dma_semaphore, #tpu.memory_space<semaphore_mem>>
      %dma_start3A_174 = arith.constant 0 : i32
      %dma_start3A_175 = arith.constant 0 : i32
      %dma_start3A_176 = tpu.memref_slice %arg8[%dma_start3A_174, %dma_start3A_175] : memref<96x128xf32, #tpu.memory_space<vmem>> -> memref<16x128xf32, #tpu.memory_space<vmem>>
      %dma_start3A_177 = arith.constant 0 : i32
      %dma_start3A_178 = arith.constant 0 : i32
      %dma_start3A_179 = tpu.memref_slice %arg6[%dma_start3A_177, %dma_start3A_178] : memref<10000x128xf32, #tpu.memory_space<vmem_shared>> -> memref<10000x128xf32, #tpu.memory_space<vmem_shared>>
      tpu.enqueue_indirect_dma source(%dma_start3A_176 : memref<16x128xf32, #tpu.memory_space<vmem>>) target(%dma_start3A_179 : memref<10000x128xf32, #tpu.memory_space<vmem_shared>>) offsets(%arg16 : memref<16xi32, #tpu.memory_space<vmem>>) semaphore(%run_scoped3A : memref<!tpu.dma_semaphore, #tpu.memory_space<semaphore_mem>>) {add = true}
      %dma_wait3A_180 = arith.constant 0 : i32
      %dma_wait3A_181 = arith.constant 0 : i32
      %dma_wait3A_182 = tpu.memref_slice %arg8[%dma_wait3A_180, %dma_wait3A_181] : memref<96x128xf32, #tpu.memory_space<vmem>> -> memref<16x128xf32, #tpu.memory_space<vmem>>
      %dma_wait3A_183 = arith.constant 0 : i32
      %dma_wait3A_184 = arith.constant 0 : i32
      %dma_wait3A_185 = tpu.memref_slice %arg6[%dma_wait3A_183, %dma_wait3A_184] : memref<10000x128xf32, #tpu.memory_space<vmem_shared>> -> memref<10000x128xf32, #tpu.memory_space<vmem_shared>>
      tpu.wait_indirect_dma semaphore(%run_scoped3A : memref<!tpu.dma_semaphore, #tpu.memory_space<semaphore_mem>>) src(%dma_wait3A_182 : memref<16x128xf32, #tpu.memory_space<vmem>>) dst(%dma_wait3A_185 : memref<10000x128xf32, #tpu.memory_space<vmem_shared>>)
      tpu.yield
    }) : () -> ()
    "tpu.region"() ({
      %run_scoped3A = tpu.sem_alloc : memref<!tpu.dma_semaphore, #tpu.memory_space<semaphore_mem>>
      %dma_start3A_174 = arith.constant 0 : i32
      %dma_start3A_175 = arith.constant 0 : i32
      %dma_start3A_176 = tpu.memref_slice %arg14[%dma_start3A_174, %dma_start3A_175] : memref<96x16xf32, #tpu.memory_space<vmem>> -> memref<16x16xf32, #tpu.memory_space<vmem>>
      %dma_start3A_177 = arith.constant 0 : i32
      %dma_start3A_178 = arith.constant 0 : i32
      %dma_start3A_179 = tpu.memref_slice %arg7[%dma_start3A_177, %dma_start3A_178] : memref<10000x16xf32, #tpu.memory_space<vmem_shared>> -> memref<10000x16xf32, #tpu.memory_space<vmem_shared>>
      tpu.enqueue_indirect_dma source(%dma_start3A_176 : memref<16x16xf32, #tpu.memory_space<vmem>>) target(%dma_start3A_179 : memref<10000x16xf32, #tpu.memory_space<vmem_shared>>) offsets(%arg16 : memref<16xi32, #tpu.memory_space<vmem>>) semaphore(%run_scoped3A : memref<!tpu.dma_semaphore, #tpu.memory_space<semaphore_mem>>) {add = true}
      %dma_wait3A_180 = arith.constant 0 : i32
      %dma_wait3A_181 = arith.constant 0 : i32
      %dma_wait3A_182 = tpu.memref_slice %arg14[%dma_wait3A_180, %dma_wait3A_181] : memref<96x16xf32, #tpu.memory_space<vmem>> -> memref<16x16xf32, #tpu.memory_space<vmem>>
      %dma_wait3A_183 = arith.constant 0 : i32
      %dma_wait3A_184 = arith.constant 0 : i32
      %dma_wait3A_185 = tpu.memref_slice %arg7[%dma_wait3A_183, %dma_wait3A_184] : memref<10000x16xf32, #tpu.memory_space<vmem_shared>> -> memref<10000x16xf32, #tpu.memory_space<vmem_shared>>
      tpu.wait_indirect_dma semaphore(%run_scoped3A : memref<!tpu.dma_semaphore, #tpu.memory_space<semaphore_mem>>) src(%dma_wait3A_182 : memref<16x16xf32, #tpu.memory_space<vmem>>) dst(%dma_wait3A_185 : memref<10000x16xf32, #tpu.memory_space<vmem_shared>>)
      tpu.yield
    }) : () -> ()
    %barrier3A_163 = arith.constant 0 : index
    tpu.barrier barrier_id(%barrier3A_163)
    %lt3A_164 = arith.constant 15 : i32
    %lt3A_165 = arith.cmpi slt, %arg1, %lt3A_164 : i32
    %convert_element_type3A_166 = arith.extui %lt3A_165 : i1 to i32
    %cond3A_167 = arith.constant 0 : i32
    %cond3A_168 = arith.cmpi ne, %convert_element_type3A_166, %cond3A_167 : i32
    scf.if %cond3A_168 {
      %dma_start3A_174 = arith.constant 0 : i32
      %dma_start3A_175 = tpu.memref_slice %arg4[%arg0, %mul3A_4, %dma_start3A_174] : memref<2x10000x128xf32, #tpu.memory_space<hbm>> -> memref<1x624x128xf32, #tpu.memory_space<hbm>>
      %dma_start3A_176 = tpu.memref_squeeze %dma_start3A_175 : memref<1x624x128xf32, #tpu.memory_space<hbm>> -> memref<624x128xf32, #tpu.memory_space<hbm>>
      %dma_start3A_177 = arith.constant 0 : i32
      %dma_start3A_178 = tpu.memref_slice %arg6[%mul3A_4, %dma_start3A_177] : memref<10000x128xf32, #tpu.memory_space<vmem_shared>> -> memref<624x128xf32, #tpu.memory_space<vmem_shared>>
      tpu.enqueue_dma source(%dma_start3A_178 : memref<624x128xf32, #tpu.memory_space<vmem_shared>>) target(%dma_start3A_176 : memref<624x128xf32, #tpu.memory_space<hbm>>) target_semaphore(%arg29 : memref<!tpu.dma_semaphore, #tpu.memory_space<semaphore_mem>>)
      %dma_start3A_179 = arith.constant 0 : i32
      %dma_start3A_180 = tpu.memref_slice %arg5[%arg0, %mul3A_4, %dma_start3A_179] : memref<2x10000x16xf32, #tpu.memory_space<hbm>> -> memref<1x624x16xf32, #tpu.memory_space<hbm>>
      %dma_start3A_181 = tpu.memref_squeeze %dma_start3A_180 : memref<1x624x16xf32, #tpu.memory_space<hbm>> -> memref<624x16xf32, #tpu.memory_space<hbm>>
      %dma_start3A_182 = arith.constant 0 : i32
      %dma_start3A_183 = tpu.memref_slice %arg7[%mul3A_4, %dma_start3A_182] : memref<10000x16xf32, #tpu.memory_space<vmem_shared>> -> memref<624x16xf32, #tpu.memory_space<vmem_shared>>
      tpu.enqueue_dma source(%dma_start3A_183 : memref<624x16xf32, #tpu.memory_space<vmem_shared>>) target(%dma_start3A_181 : memref<624x16xf32, #tpu.memory_space<hbm>>) target_semaphore(%arg29 : memref<!tpu.dma_semaphore, #tpu.memory_space<semaphore_mem>>)
      %dma_wait3A_184 = arith.constant 0 : i32
      %dma_wait3A_185 = tpu.memref_slice %arg4[%arg0, %mul3A_4, %dma_wait3A_184] : memref<2x10000x128xf32, #tpu.memory_space<hbm>> -> memref<1x624x128xf32, #tpu.memory_space<hbm>>
      %dma_wait3A_186 = tpu.memref_squeeze %dma_wait3A_185 : memref<1x624x128xf32, #tpu.memory_space<hbm>> -> memref<624x128xf32, #tpu.memory_space<hbm>>
      %dma_wait3A_187 = arith.constant 0 : i32
      %dma_wait3A_188 = tpu.memref_slice %arg6[%mul3A_4, %dma_wait3A_187] : memref<10000x128xf32, #tpu.memory_space<vmem_shared>> -> memref<624x128xf32, #tpu.memory_space<vmem_shared>>
      tpu.wait_dma2 semaphore(%arg29 : memref<!tpu.dma_semaphore, #tpu.memory_space<semaphore_mem>>) src(%dma_wait3A_188 : memref<624x128xf32, #tpu.memory_space<vmem_shared>>) dst(%dma_wait3A_186 : memref<624x128xf32, #tpu.memory_space<hbm>>)
      %dma_wait3A_189 = arith.constant 0 : i32
      %dma_wait3A_190 = tpu.memref_slice %arg5[%arg0, %mul3A_4, %dma_wait3A_189] : memref<2x10000x16xf32, #tpu.memory_space<hbm>> -> memref<1x624x16xf32, #tpu.memory_space<hbm>>
      %dma_wait3A_191 = tpu.memref_squeeze %dma_wait3A_190 : memref<1x624x16xf32, #tpu.memory_space<hbm>> -> memref<624x16xf32, #tpu.memory_space<hbm>>
      %dma_wait3A_192 = arith.constant 0 : i32
      %dma_wait3A_193 = tpu.memref_slice %arg7[%mul3A_4, %dma_wait3A_192] : memref<10000x16xf32, #tpu.memory_space<vmem_shared>> -> memref<624x16xf32, #tpu.memory_space<vmem_shared>>
      tpu.wait_dma2 semaphore(%arg29 : memref<!tpu.dma_semaphore, #tpu.memory_space<semaphore_mem>>) src(%dma_wait3A_193 : memref<624x16xf32, #tpu.memory_space<vmem_shared>>) dst(%dma_wait3A_191 : memref<624x16xf32, #tpu.memory_space<hbm>>)
    } else {
    }
    %eq3A_169 = arith.constant 15 : i32
    %eq3A_170 = arith.cmpi eq, %arg1, %eq3A_169 : i32
    %convert_element_type3A_171 = arith.extui %eq3A_170 : i1 to i32
    %cond3A_172 = arith.constant 0 : i32
    %cond3A_173 = arith.cmpi ne, %convert_element_type3A_171, %cond3A_172 : i32
    scf.if %cond3A_173 {
      %dma_start3A_174 = arith.constant 0 : i32
      %dma_start3A_175 = tpu.memref_slice %arg4[%arg0, %mul3A_4, %dma_start3A_174] : memref<2x10000x128xf32, #tpu.memory_space<hbm>> -> memref<1x640x128xf32, #tpu.memory_space<hbm>>
      %dma_start3A_176 = tpu.memref_squeeze %dma_start3A_175 : memref<1x640x128xf32, #tpu.memory_space<hbm>> -> memref<640x128xf32, #tpu.memory_space<hbm>>
      %dma_start3A_177 = arith.constant 0 : i32
      %dma_start3A_178 = tpu.memref_slice %arg6[%mul3A_4, %dma_start3A_177] : memref<10000x128xf32, #tpu.memory_space<vmem_shared>> -> memref<640x128xf32, #tpu.memory_space<vmem_shared>>
      tpu.enqueue_dma source(%dma_start3A_178 : memref<640x128xf32, #tpu.memory_space<vmem_shared>>) target(%dma_start3A_176 : memref<640x128xf32, #tpu.memory_space<hbm>>) target_semaphore(%arg29 : memref<!tpu.dma_semaphore, #tpu.memory_space<semaphore_mem>>)
      %dma_start3A_179 = arith.constant 0 : i32
      %dma_start3A_180 = tpu.memref_slice %arg5[%arg0, %mul3A_4, %dma_start3A_179] : memref<2x10000x16xf32, #tpu.memory_space<hbm>> -> memref<1x640x16xf32, #tpu.memory_space<hbm>>
      %dma_start3A_181 = tpu.memref_squeeze %dma_start3A_180 : memref<1x640x16xf32, #tpu.memory_space<hbm>> -> memref<640x16xf32, #tpu.memory_space<hbm>>
      %dma_start3A_182 = arith.constant 0 : i32
      %dma_start3A_183 = tpu.memref_slice %arg7[%mul3A_4, %dma_start3A_182] : memref<10000x16xf32, #tpu.memory_space<vmem_shared>> -> memref<640x16xf32, #tpu.memory_space<vmem_shared>>
      tpu.enqueue_dma source(%dma_start3A_183 : memref<640x16xf32, #tpu.memory_space<vmem_shared>>) target(%dma_start3A_181 : memref<640x16xf32, #tpu.memory_space<hbm>>) target_semaphore(%arg29 : memref<!tpu.dma_semaphore, #tpu.memory_space<semaphore_mem>>)
      %dma_wait3A_184 = arith.constant 0 : i32
      %dma_wait3A_185 = tpu.memref_slice %arg4[%arg0, %mul3A_4, %dma_wait3A_184] : memref<2x10000x128xf32, #tpu.memory_space<hbm>> -> memref<1x640x128xf32, #tpu.memory_space<hbm>>
      %dma_wait3A_186 = tpu.memref_squeeze %dma_wait3A_185 : memref<1x640x128xf32, #tpu.memory_space<hbm>> -> memref<640x128xf32, #tpu.memory_space<hbm>>
      %dma_wait3A_187 = arith.constant 0 : i32
      %dma_wait3A_188 = tpu.memref_slice %arg6[%mul3A_4, %dma_wait3A_187] : memref<10000x128xf32, #tpu.memory_space<vmem_shared>> -> memref<640x128xf32, #tpu.memory_space<vmem_shared>>
      tpu.wait_dma2 semaphore(%arg29 : memref<!tpu.dma_semaphore, #tpu.memory_space<semaphore_mem>>) src(%dma_wait3A_188 : memref<640x128xf32, #tpu.memory_space<vmem_shared>>) dst(%dma_wait3A_186 : memref<640x128xf32, #tpu.memory_space<hbm>>)
      %dma_wait3A_189 = arith.constant 0 : i32
      %dma_wait3A_190 = tpu.memref_slice %arg5[%arg0, %mul3A_4, %dma_wait3A_189] : memref<2x10000x16xf32, #tpu.memory_space<hbm>> -> memref<1x640x16xf32, #tpu.memory_space<hbm>>
      %dma_wait3A_191 = tpu.memref_squeeze %dma_wait3A_190 : memref<1x640x16xf32, #tpu.memory_space<hbm>> -> memref<640x16xf32, #tpu.memory_space<hbm>>
      %dma_wait3A_192 = arith.constant 0 : i32
      %dma_wait3A_193 = tpu.memref_slice %arg7[%mul3A_4, %dma_wait3A_192] : memref<10000x16xf32, #tpu.memory_space<vmem_shared>> -> memref<640x16xf32, #tpu.memory_space<vmem_shared>>
      tpu.wait_dma2 semaphore(%arg29 : memref<!tpu.dma_semaphore, #tpu.memory_space<semaphore_mem>>) src(%dma_wait3A_193 : memref<640x16xf32, #tpu.memory_space<vmem_shared>>) dst(%dma_wait3A_191 : memref<640x16xf32, #tpu.memory_space<hbm>>)
    } else {
    }
    return
  }
}

module attributes {stable_mosaic.version = 14 : i64} {
  func.func @_combine_body(%arg0: i32, %arg1: memref<2x1000x128xf32, #tpu.memory_space<vmem>>, %arg2: memref<2x1000x16xf32, #tpu.memory_space<vmem>>, %arg3: memref<1000x128xf32, #tpu.memory_space<vmem>>) attributes {dimension_semantics = [#tpu.dimension_semantics<arbitrary>], iteration_bounds = array<i64: 10>, scalar_prefetch = 0 : i64, scratch_operands = 0 : i64, tpu.core_type = #tpu.core_type<tc>, window_params = [{transform_indices = @transform_0, window_bounds = array<i64: 2, 1000, 128>}, {transform_indices = @transform_1, window_bounds = array<i64: 2, 1000, 16>}, {transform_indices = @transform_2, window_bounds = array<i64: 1000, 128>}]} {
    %get3A = arith.constant 0 : index
    %get3A_0 = arith.constant 0 : index
    %get3A_1 = arith.constant 0 : index
    %get3A_2 = vector.load %arg1[%get3A, %get3A_0, %get3A_1] : memref<2x1000x128xf32, #tpu.memory_space<vmem>>, vector<1x1000x128xf32>
    %get3A_3 = vector.shape_cast %get3A_2 : vector<1x1000x128xf32> to vector<1000x128xf32>
    %get3A_4 = arith.constant 1 : index
    %get3A_5 = arith.constant 0 : index
    %get3A_6 = arith.constant 0 : index
    %get3A_7 = vector.load %arg1[%get3A_4, %get3A_5, %get3A_6] : memref<2x1000x128xf32, #tpu.memory_space<vmem>>, vector<1x1000x128xf32>
    %get3A_8 = vector.shape_cast %get3A_7 : vector<1x1000x128xf32> to vector<1000x128xf32>
    %add3A = arith.addf %get3A_3, %get3A_8 : vector<1000x128xf32>
    %get3A_9 = arith.constant 0 : index
    %get3A_10 = arith.constant 0 : index
    %get3A_11 = arith.constant 0 : index
    %get3A_12 = vector.load %arg2[%get3A_9, %get3A_10, %get3A_11] : memref<2x1000x16xf32, #tpu.memory_space<vmem>>, vector<1x1000x16xf32>
    %get3A_13 = vector.shape_cast %get3A_12 : vector<1x1000x16xf32> to vector<1000x16xf32>
    %get3A_14 = arith.constant 1 : index
    %get3A_15 = arith.constant 0 : index
    %get3A_16 = arith.constant 0 : index
    %get3A_17 = vector.load %arg2[%get3A_14, %get3A_15, %get3A_16] : memref<2x1000x16xf32, #tpu.memory_space<vmem>>, vector<1x1000x16xf32>
    %get3A_18 = vector.shape_cast %get3A_17 : vector<1x1000x16xf32> to vector<1000x16xf32>
    %add3A_19 = arith.addf %get3A_13, %get3A_18 : vector<1000x16xf32>
    %slice3A = vector.extract_strided_slice %add3A_19 {offsets = [0, 0], sizes = [1000, 1], strides = [1, 1]} : vector<1000x16xf32> to vector<1000x1xf32>
    %max3A = arith.constant 1.000000e+00 : f32
    %max3A_20 = vector.broadcast %max3A : f32 to vector<1000x1xf32>
    %max3A_21 = arith.maximumf %slice3A, %max3A_20 : vector<1000x1xf32>
    %div3A = vector.broadcast %max3A_21 : vector<1000x1xf32> to vector<1000x128xf32>
    %div3A_22 = arith.divf %add3A, %div3A : vector<1000x128xf32>
    %swap3A = arith.constant 0 : index
    %swap3A_23 = arith.constant 0 : index
    %swap3A_24 = vector.load %arg3[%swap3A, %swap3A_23] : memref<1000x128xf32, #tpu.memory_space<vmem>>, vector<1000x128xf32>
    tpu.vector_store %arg3[%swap3A, %swap3A_23], %div3A_22 {strides = array<i32>} : memref<1000x128xf32, #tpu.memory_space<vmem>>, vector<1000x128xf32>,
    return
  }
  func.func @transform_0(%arg0: i32) -> (i32, i32, i32) {
    %c0_i32 = arith.constant 0 : i32
    %c0_i32_0 = arith.constant 0 : i32
    %c0_i32_1 = arith.constant 0 : i32
    return %c0_i32, %arg0, %c0_i32_0 : i32, i32, i32
  }
  func.func @transform_1(%arg0: i32) -> (i32, i32, i32) {
    %c0_i32 = arith.constant 0 : i32
    %c0_i32_0 = arith.constant 0 : i32
    %c0_i32_1 = arith.constant 0 : i32
    return %c0_i32, %arg0, %c0_i32_0 : i32, i32, i32
  }
  func.func @transform_2(%arg0: i32) -> (i32, i32) {
    %c0_i32 = arith.constant 0 : i32
    %c0_i32_0 = arith.constant 0 : i32
    return %arg0, %c0_i32 : i32, i32
  }
}

</mosaic_0001>

<sc_bundles>
// kernel: kernel.4.cloned.1.call-start
scs
__scs_entry_jumppad:
0x0: {  	(pc) =	sbr.rel $0x88, $3  }
0x1: {  	(tag) =	ssettag $0x0;
	lr =	simm.s32 $0x1  }
0x2: {  	[smem:$0x3F9F] =	sst lr;
	_ =	strace $0xD0000000  }
0x3: {  	_ = 	snop  }
0x4: {  	_ = 	snop  }
0x5: {  	_ = 	snop  }
0x6: {  	_ = 	snop  }
0x7: {  	_ = 	snop  }
__scs_overlays_trampoline_lowered:
0x8: {  	[smem:$0x3FAE] =	sst s0  }
0x9: {  	[smem:$0x3FAF] =	sst s1  }
0xa: {  	[smem:$0x3FB0] =	sst s2  }
0xb: {  	[smem:$0x3FB1] =	sst s3  }
0xc: {  	[smem:$0x3FB2] =	sst s4  }
0xd: {  	[smem:$0x3FB3] =	sst s5  }
0xe: {  	[smem:$0x3FB4] =	sst s6  }
0xf: {  	[smem:$0x3FB5] =	sst s7  }
0x10: {  	[smem:$0x3FB6] =	sst s8  }
0x11: {  	[smem:$0x3FB7] =	sst s9;
	s0 =	simm.s32 @!p0 $0x0  }
0x12: {  	s1 =	sld [smem:$0x3F9D];
	s0 =	simm.s32 @p0 $0x1  }
0x13: {  	[smem:$0x3FB8] =	sst s0;
	s0 =	simm.s32 @!p1 $0x0  }
0x14: {  	s2 =	sld [smem:$0x3F9C];
	s0 =	simm.s32 @p1 $0x1  }
0x15: {  	[smem:$0x3FB9] =	sst s0;
	s0 =	simm.s32 @!p2 $0x0  }
0x16: {  	s3 =	sld [smem:$0x3FDB];
	s0 =	simm.s32 @p2 $0x1  }
0x17: {  	s4 =	simm.s32 $0x1BF5;
	[smem:$0x3FBB] =	sst s0  }
0x18: {  	s0 =	sld [smem:$0x3F9E];
	_ =	swait.ge [sflag:s4], $0x0  }
0x19: {  	s7 =	sld [smem:$0x3F9F]  }
0x1a: {  	s8 =	sadd.s32 $0xFFFFE003, lr  }
0x1b: {  	s9 =	sadd.s32 $0xFFFFFEF7, lr;
	s5 =	simm.s32 $0xFFFFFFFF;
	p2 =	slt.u32 s8, $0xFFFFF086  }
0x1c: {  	p1 =	slt.u32 s9, $0xF7A;
	s5 =	simm.s32 @!p2 $0x0  }
0x1d: {  	s5 =	simm.s32 @p1 $0x1;
	p0 =	seq.s32 s7, s2  }
0x1e: {  	s7 =	smul.u32 @!p0 $0xF7A, s2;
	p2 =	seq.s32 @!p0 s5, $0x0  }
0x1f: {  	s9 =	smul.u32 $0xF7A, s1;
	s8 =	simm.s32 @!p0 $0x1BF5;
	p2 =	por !p2, p0  }
0x20: {  	[sflag:s8] =	ssyncset.s32 @!p0 $0xFFFFF086;
	s6 =	sadd.s32 @!p0 s3, s7;
	s7 =	simm.s32 @!p0 $0x108  }
0x21: {  	s3 =	sadd.s32 s3, s9;
	s6 =	sadd.s32 @!p0 $0x88, s6;
	s7 =	simm.s32 @p2 $0x1082  }
0x22: {  	[simem:s7], [sflag:s8] =	dma.local @!p0 [hbm:s6], $0xF7A  }
0x23: {  	s9 =	sor.u32 $0xD0000000, s2;
	s6 =	simm.s32 $0x108;
	_ =	swait.ge @!p0 [sflag:s8], $0x0  }
0x24: {  	s3 =	sadd.s32 $0x88, s3;
	s6 =	simm.s32 @!p1 $0x1082;
	[sflag:s4] =	ssyncset.s32 $0xFFFFF086  }
0x25: {  	[simem:s6], [sflag:s4] =	dma.local [hbm:s3], $0xF7A  }
0x26: {  	[smem:$0x3F9F] =	sst s1;
	(tag) =	ssettag s2;
	_ =	strace s9  }
0x27: {  	s1 =	sld [smem:$0x3FAF]  }
0x28: {  	s2 =	sld [smem:$0x3FB0]  }
0x29: {  	s4 =	sld [smem:$0x3FB2]  }
0x2a: {  	p0 =	seq.s32 s5, $0x0;
	s5 =	sld [smem:$0x3FB3]  }
0x2b: {  	s6 =	sld [smem:$0x3FB4]  }
0x2c: {  	s7 =	sld [smem:$0x3FB5]  }
0x2d: {  	s3 =	simm.s32 $0x108;
	s8 =	sld [smem:$0x3FB6]  }
0x2e: {  	s3 =	simm.s32 @!p0 $0x1082;
	s9 =	sld [smem:$0x3FB7]  }
0x2f: {  	lr =	sadd.s32 s0, s3;
	s0 =	sld [smem:$0x3FAE]  }
0x30: {  	s3 =	sld [smem:$0x3FB1]  }
0x31: {  	[smem:$0x3FBA] =	sst s10  }
0x32: {  	s10 =	sld [smem:$0x3FB8];
	_ =	sdelay $0x3  }
0x33: {  	p0 =	seq.s32 s10, $0x1;
	s10 =	sld [smem:$0x3FBA];
	_ =	sdelay $0x3  }
0x34: {  	[smem:$0x3FBA] =	sst s10  }
0x35: {  	s10 =	sld [smem:$0x3FB9];
	_ =	sdelay $0x3  }
0x36: {  	p1 =	seq.s32 s10, $0x1;
	s10 =	sld [smem:$0x3FBA];
	_ =	sdelay $0x3  }
0x37: {  	[smem:$0x3FBA] =	sst s10  }
0x38: {  	s10 =	sld [smem:$0x3FBB]  }
0x39: {  	_ = 	snop;
	(pc) =	sbr.ind lr, $3  }
0x3a: {  	_ = 	snop  }
0x3b: {  	_ = 	snop  }
0x3c: {  	p2 =	seq.s32 s10, $0x1;
	s10 =	sld [smem:$0x3FBA]  }
0x3d: {  	_ =	shalt  }
0x3e: {  	_ =	shalt  }
0x3f: {  	_ =	shalt  }
0x40: {  	_ =	shalt  }
0x41: {  	_ =	shalt  }
0x42: {  	_ =	shalt  }
0x43: {  	_ =	shalt  }
0x44: {  	_ =	shalt  }
0x45: {  	_ =	shalt  }
0x46: {  	_ =	shalt  }
0x47: {  	_ =	shalt  }
0x48: {  	_ =	shalt  }
0x49: {  	_ =	shalt  }
0x4a: {  	_ =	shalt  }
0x4b: {  	_ =	shalt  }
0x4c: {  	_ =	shalt  }
0x4d: {  	_ =	shalt  }
0x4e: {  	_ =	shalt  }
0x4f: {  	_ =	shalt  }
0x50: {  	_ =	shalt  }
0x51: {  	_ =	shalt  }
0x52: {  	_ =	shalt  }
0x53: {  	_ =	shalt  }
0x54: {  	_ =	shalt  }
0x55: {  	_ =	shalt  }
0x56: {  	_ =	shalt  }
0x57: {  	_ =	shalt  }
0x58: {  	_ =	shalt  }
0x59: {  	_ =	shalt  }
0x5a: {  	_ =	shalt  }
0x5b: {  	_ =	shalt  }
0x5c: {  	_ =	shalt  }
0x5d: {  	_ =	shalt  }
0x5e: {  	_ =	shalt  }
0x5f: {  	_ =	shalt  }
0x60: {  	_ =	shalt  }
0x61: {  	_ =	shalt  }
0x62: {  	_ =	shalt  }
0x63: {  	_ =	shalt  }
0x64: {  	_ =	shalt  }
0x65: {  	_ =	shalt  }
0x66: {  	_ =	shalt  }
0x67: {  	_ =	shalt  }
0x68: {  	_ =	shalt  }
0x69: {  	_ =	shalt  }
0x6a: {  	_ =	shalt  }
0x6b: {  	_ =	shalt  }
0x6c: {  	_ =	shalt  }
0x6d: {  	_ =	shalt  }
0x6e: {  	_ =	shalt  }
0x6f: {  	_ =	shalt  }
0x70: {  	_ =	shalt  }
0x71: {  	_ =	shalt  }
0x72: {  	_ =	shalt  }
0x73: {  	_ =	shalt  }
0x74: {  	_ =	shalt  }
0x75: {  	_ =	shalt  }
0x76: {  	_ =	shalt  }
0x77: {  	_ =	shalt  }
0x78: {  	_ =	shalt  }
0x79: {  	_ =	shalt  }
0x7a: {  	_ =	shalt  }
0x7b: {  	_ =	shalt  }
0x7c: {  	_ =	shalt  }
0x7d: {  	_ =	shalt  }
0x7e: {  	_ =	shalt  }
0x7f: {  	_ =	shalt  }
0x80: {  	_ =	shalt  }
0x81: {  	_ =	shalt  }
0x82: {  	_ =	shalt  }
0x83: {  	_ =	shalt  }
0x84: {  	_ =	shalt  }
0x85: {  	_ =	shalt  }
0x86: {  	_ =	shalt  }
0x87: {  	_ =	shalt  }
.Lfunc_end0:
.L_simem_size_0:
called_computation_lowered:
.L_overlay_start_0:
0x88: {  	s2 =	sld [smem:$0x3FD9]  }
0x89: {  	s3 =	sld [smem:$0x3FFE];
	_ =	sdelay $0x1  }
0x8a: {  	s1 =	srdreg.scid  }
0x8b: {  	s0 =	sand.u32 $0x1, s1  }
0x8c: {  	s17 =	sshll.u32 s0, $0xA;
	s2 =	sadd.s32 s3, s2  }
0x8d: {  	s2 =	sadd.s32 s2, s17  }
0x8e: {  	[smem:$0x3FC6] =	sst s2  }
0x8f: {  	_ = 	snop  }
0x90: {  	s2 =	sld [smem:$0x3FC9]  }
0x91: {  	s18 =	sld [smem:$0x3FC8]  }
0x92: {  	s4 =	sld [smem:$0x3FD0];
	(tm) =	ssettm $0x1  }
0x93: {  	s5 =	sld [smem:$0x3FFB];
	_ =	sdelay $0x3  }
0x94: {  	_ =	strace s5  }
0x95: {  	s5 =	sld [smem:$0x3FFC];
	_ =	sdelay $0x3  }
0x96: {  	_ =	strace s5  }
0x97: {  	s5 =	sld [smem:$0x3FFD];
	_ =	sdelay $0x3  }
0x98: {  	_ =	strace s5  }
0x99: {  	_ =	strace $0x8FFFFFFF  }
0x9a: {  	s19 =	sld [smem:$0x3FDB];
	_ =	sdelay $0x1  }
0x9b: {  	s6 =	simm.s32 $_scs_section_size  }
0x9c: {  	s7 =	simm.s32 $_size__tile_overlayer_lowered;
	s8 =	simm.s32 $_tile_overlayer_lowered  }
0x9d: {  	s22 =	simm.s32 $0x1BFF;
	s21 =	sshll.u32 s8, $0x1;
	s5 =	sadd.s32 s6, s19  }
0x9e: {  	s9 =	simm.s32 $0x0;
	s20 =	sshll.u32 s7, $0x1;
	s7 =	sadd.s32 s21, s5  }
0x9f: {  	[timem:s9], [sflag:s22] =	dma.local [hbm:s7], s20  }
0xa0: {  	_ =	swait.ge [sflag:s22], s20  }
0xa1: {  	s6 =	ssub.s32 $0x0, s20;
	[sflag:s22] =	ssyncset.done $0x0  }
0xa2: {  	[sflag:s22] =	ssyncadd.s32 s6;
	_ =	sdelay $0x1  }
0xa3: {  	s23 =	simm.s32 $0x1B8B  }
0xa4: {  	_ =	swait.ge [sflag:s23], $0x1  }
0xa5: {  	[sflag:s23] =	ssyncset.done $0x0  }
0xa6: {  	s25 =	simm.s32 $0x1B8E;
	s24 =	sld [smem:$0x3FFE];
	[sflag:s23] =	ssyncadd.s32 $0xFFFFFFFF  }
0xa7: {  	s26 =	simm.s32 $execute0_lowered;
	[smem:$0x3FD2] =	sst s25  }
0xa8: {  	s7 =	sshll.u32 s26, $0x1;
	_ =	strace $0x80000046;
	[dreg:$0x1] =	wrdreg $0xFFFFFFFF  }
0xa9: {  	s28 =	simm.s32 $_size_execute0_lowered;
	s5 =	sadd.s32 s5, s7;
	[dreg:$0x0] =	wrdreg $0x0  }
0xaa: {  	s7 =	sshll.u32 s28, $0x1;
	[dreg:$0x2] =	wrdreg s5  }
0xab: {  	[dreg:$0x3] =	wrdreg s7  }
0xac: {  	[dreg:$0x4] =	wrdreg $0xC0  }
0xad: {  	_ =	task [dreg:s9], $0x5FFFF  }
0xae: {  	[dreg:$0x1] =	wrdreg $0xFFFFFFFF  }
0xaf: {  	[dreg:$0x0] =	wrdreg $0x60  }
0xb0: {  	[dreg:$0x2] =	wrdreg s2  }
0xb1: {  	[dreg:$0x3] =	wrdreg s18  }
0xb2: {  	[dreg:$0x4] =	wrdreg s24  }
0xb3: {  	[dreg:$0x5] =	wrdreg s4  }
0xb4: {  	[dreg:$0x6] =	wrdreg $0x0  }
0xb5: {  	[dreg:$0x7] =	wrdreg $0x138800  }
0xb6: {  	[dreg:$0x8] =	wrdreg $0x9  }
0xb7: {  	_ =	task.clear_ibuf [dreg:s9], $0x9FFFF;
	_ =	strace $0x90000046  }
0xb8: {  	s29 =	simm.s32 $0x9;
	_ =	strace $0x80000048  }
0xb9: {  	_ =	swait.ge [sflag:s29], $0x1  }
0xba: {  	[sflag:s29] =	ssyncadd.s32 $0xFFFFFFFF  }
0xbb: {  	_ =	strace $0x90000048  }
0xbc: {  	_ =	sfence  }
0xbd: {  	s30 =	sld [smem:$0x0];
	_ =	sdelay $0x2  }
0xbe: {  	s31 =	sshll.u32 s1, $0xD;
	s1 =	sshrl.u32 s1, $0x2  }
0xbf: {  	s3 =	sand.u32 $0x4000, s31;
	s1 =	sadd.s32 s1, s30  }
0xc0: {  	s0 =	sor.u32 s3, s0;
	s1 =	sshll.u32 s1, $0x11  }
0xc1: {  	s0 =	sor.u32 s1, s0  }
0xc2: {  	s0 =	sadd.s32 $0x8F2B, s0  }
0xc3: {  	[sflag:s0] =	ssyncadd.remote.s32 $0x1  }
0xc4: {  	_ =	sfence.sel $0xFFFF  }
0xc5: {  	[dreg:$0x0] =	wrdreg $0xFFFFFFFF;
	(pc) =	sbr.abs _section_cstart, $3  }
0xc6: {  	[dreg:$0x1] =	wrdreg $0xFFFFFFFF  }
0xc7: {  	_ =	task.clear_ibuf [dreg:s9], $0x2FFFF;
	_ =	strace $0x9FFFFFFF  }
0xc8: {  	(tm) =	ssettm $0x7FFFFFFF  }
0xc9: {  	_ =	shalt  }
tec
execute0_lowered:
.L_overlay_start_1:
0x0: {  	(tag) =	ssettag $0x1  }
0x1: {  	s6 =	rddreg [dreg:$0x0]  }
0x2: {  	s9 =	rddreg [dreg:$0x1]  }
0x3: {  	s0 =	rddreg [dreg:$0x2]  }
0x4: {  	s8 =	rddreg [dreg:$0x3]  }
0x5: {  	s1 =	rddreg [dreg:$0x4]  }
0x6: {  	s2 =	rddreg [dreg:$0x5]  }
0x7: {  	s3 =	srdreg.scid;
	s4 =	simm.s32 $0x0;
	s22 =	stileid.u32  }
0x8: {  	s31 =	simm.s32 $0x18F90;
	s28 =	simm.s32 $0xE;
	s5 =	sand.u32 $0x1, s3  }
0x9: {  	s30 =	simm.s32 $0x0;
	[smem:$0x7FF] =	sst s4;
	s12 =	smul.u32 $0x138800, s5  }
0xa: {  	s7 =	sadd.s32 $0xA00, s0;
	p0 =	seq.s32 s22, $0xF;
	s15 =	smul.u32 $0x27100, s5  }
0xb: {  	s3 =	sshll.u32 s5, $0x4;
	s17 =	ssub.s32 $0x2, s5;
	s5 =	smul.u32 $0x2700, s22  }
0xc: {  	s29 =	sadd.s32 $0x24900, s2;
	s10 =	sor.u32 s22, s3;
	s3 =	smul.u32 $0x13800, s22  }
0xd: {  	_ =	strace $0x80000047;
	s13 =	sshrl.u32 s17, $0x1;
	s11 =	smul.u32 $0x2710, s10  }
0xe: {  	[smem:$0x7FD] =	sst s29;
	s0 =	ssub.s32 s17, s13;
	s17 =	smul.u32 $0x2710, s22  }
0xf: {  	s21 =	sadd.s32 s5, s15;
	s23 =	sshrl.u32 s15, $0x3;
	s10 =	smul.u32 $0x27100, s10  }
0x10: {  	s5 =	sadd.s32 s5, s2;
	s20 =	sadd.s32 s3, s12;
	s12 =	sshrl.u32 s12, $0x3  }
0x11: {  	s3 =	sadd.s32 s3, s1;
	s0 =	smax.u32 s0, $0x1;
	s14 =	sadd.s32 $0x60, s11  }
0x12: {  	s16 =	sadd.s32 $0xC0, s11;
	s13 =	sshrl.u32 s20, $0x3;
	s17 =	sadd.s32 s17, s15  }
0x13: {  	s20 =	sadd.s32 $0x120, s11;
	[smem:$0x7ED] =	sst s0;
	s0 =	sshrl.u32 @!p0 s3, $0x3  }
0x14: {  	s3 =	simm.s32 $0x1BF90;
	s18 =	sshrl.u32 s14, $0x3;
	s13 =	sadd.s32 s7, s13  }
0x15: {  	s7 =	sadd.s32 s7, s12;
	s12 =	sadd.s32 $0x2A0, s17;
	s14 =	sshll.u32 s14, $0x4  }
0x16: {  	[smem:$0x7EE] =	sst s0;
	s0 =	sshrl.u32 @!p0 s5, $0x3;
	s19 =	sadd.s32 s9, s18  }
0x17: {  	s18 =	sshrl.u32 s16, $0x3;
	[dreg:$0xb] =	wrdreg s13;
	s13 =	sshrl.u32 s21, $0x3  }
0x18: {  	s24 =	sshrl.u32 s12, $0x3;
	s16 =	sshll.u32 s16, $0x4;
	[smem:$0x7F3] =	sst s0  }
0x19: {  	[dreg:$0xa] =	wrdreg s19;
	s13 =	sadd.s32 s8, s13;
	s19 =	sadd.s32 $0x240, s17  }
0x1a: {  	s8 =	sadd.s32 s8, s23;
	s25 =	sadd.s32 s24, s9;
	[dreg:$0xc] =	wrdreg s13  }
0x1b: {  	s23 =	sshrl.u32 s11, $0x3;
	s18 =	sadd.s32 s9, s18;
	[dreg:$0x7] =	wrdreg s25  }
0x1c: {  	s24 =	sshrl.u32 s20, $0x3;
	s26 =	sshrl.u32 s19, $0x3;
	[dreg:$0xd] =	wrdreg s18  }
0x1d: {  	s15 =	sadd.s32 s9, s23;
	s13 =	sadd.s32 s9, s24;
	s24 =	sadd.s32 s6, s14  }
0x1e: {  	s18 =	sshll.u32 s12, $0x4;
	s12 =	smul.u32 $0x270, s22;
	[dreg:$0xe] =	wrdreg s15  }
0x1f: {  	s21 =	sadd.s32 s26, s9;
	[dreg:$0xf] =	wrdreg s13;
	s13 =	sadd.s32 $0x180, s11  }
0x20: {  	s11 =	sadd.s32 $0x2700, s11;
	s15 =	sadd.s32 $0x1E0, s17;
	[dreg:$0x12] =	wrdreg s24  }
0x21: {  	[dreg:$0x8] =	wrdreg s21;
	s25 =	sshrl.u32 s13, $0x3;
	s26 =	sshrl.u32 s11, $0x3  }
0x22: {  	s21 =	sshrl.u32 s15, $0x3;
	s14 =	sshll.u32 s13, $0x4;
	s17 =	sadd.s32 s9, s25  }
0x23: {  	s24 =	sshll.u32 s15, $0x4;
	s23 =	sadd.s32 s9, s26;
	[dreg:$0x10] =	wrdreg s17  }
0x24: {  	s9 =	sadd.s32 s21, s9;
	s25 =	sadd.s32 s6, s16;
	[dreg:$0x11] =	wrdreg s23  }
0x25: {  	s26 =	sadd.s32 s6, s10;
	s10 =	sshll.u32 s20, $0x4;
	[dreg:$0x9] =	wrdreg s9  }
0x26: {  	s16 =	sadd.s32 s6, s14;
	s20 =	smul.u32 $0x4E000, s22;
	[dreg:$0x13] =	wrdreg s25  }
0x27: {  	s21 =	sshll.u32 s19, $0x4;
	s14 =	sadd.s32 $0xC0, s12;
	[dreg:$0x14] =	wrdreg s26  }
0x28: {  	s9 =	sadd.s32 s6, s10;
	[dreg:$0x16] =	wrdreg s16;
	s17 =	sshll.u32 s11, $0x4  }
0x29: {  	s23 =	smul.u32 $0x9C00, s22;
	s11 =	sadd.s32 $0x60, s12;
	s15 =	sshll.u32 s14, $0x7  }
0x2a: {  	s16 =	sshll.u32 s14, $0x4;
	s14 =	sadd.s32 $0x127800, s1;
	[dreg:$0x15] =	wrdreg s9  }
0x2b: {  	s22 =	sadd.s32 $0x26100, s2;
	s9 =	sadd.s32 s6, s17;
	[smem:$0x7EF] =	sst s14  }
0x2c: {  	s25 =	sshrl.u32 s20, $0x2;
	s13 =	sshll.u32 s11, $0x7;
	[smem:$0x7F7] =	sst s22  }
0x2d: {  	s17 =	sadd.s32 $0x120, s12;
	[dreg:$0x17] =	wrdreg s9;
	s9 =	sadd.s32 s18, s6  }
0x2e: {  	s20 =	sadd.s32 $0x180, s12;
	[dreg:$0x18] =	wrdreg s9;
	s9 =	sadd.s32 s21, s6  }
0x2f: {  	s26 =	sshrl.u32 s23, $0x2;
	s6 =	sadd.s32 s24, s6;
	[dreg:$0x19] =	wrdreg s9  }
0x30: {  	s23 =	sadd.s32 $0x1E0, s12;
	s10 =	sadd.s32 s26, s2;
	[dreg:$0x1a] =	wrdreg s6  }
0x31: {  	s26 =	sadd.s32 $0x240, s12;
	s12 =	sadd.s32 $0x24900, s7;
	[dreg:$0x1c] =	wrdreg s10  }
0x32: {  	s18 =	sshll.u32 s17, $0x7;
	s6 =	sadd.s32 s25, s1;
	[smem:$0x7EB] =	sst s12  }
0x33: {  	s24 =	sshll.u32 s23, $0x7;
	s9 =	sadd.s32 s13, s1;
	[dreg:$0x1b] =	wrdreg s6  }
0x34: {  	s25 =	sshll.u32 s23, $0x4;
	s13 =	sadd.s32 $0x4920, s8;
	[dreg:$0x1d] =	wrdreg s9  }
0x35: {  	s23 =	sadd.s32 $0x133800, s1;
	s6 =	sshll.u32 s11, $0x4;
	[smem:$0x7EC] =	sst s13  }
0x36: {  	s9 =	sshll.u32 s17, $0x4;
	s17 =	sadd.s32 $0x25500, s2;
	[smem:$0x7F8] =	sst s23  }
0x37: {  	s5 =	simm.s32 $0x1F050;
	s6 =	sadd.s32 s6, s2;
	[smem:$0x7F2] =	sst s17  }
0x38: {  	s21 =	sshll.u32 s20, $0x7;
	s19 =	sadd.s32 s9, s2;
	[dreg:$0x1e] =	wrdreg s6  }
0x39: {  	s0 =	simm.s32 $0x1EFF0;
	s9 =	sadd.s32 s21, s1;
	[smem:$0x7E4] =	sst s19  }
0x3a: {  	s14 =	simm.s32 $0x2;
	s21 =	sadd.s32 $0x124800, s1;
	[smem:$0x7E5] =	sst s9  }
0x3b: {  	s22 =	simm.s32 $0x6;
	s6 =	sadd.s32 s15, s1;
	[smem:$0x7FC] =	sst s21  }
0x3c: {  	s7 =	simm.s32 $0x1EF90;
	s15 =	sadd.s32 $0x24F00, s2;
	[dreg:$0x1f] =	wrdreg s6  }
0x3d: {  	s10 =	sshll.u32 s26, $0x7;
	s19 =	sadd.s32 $0x130800, s1;
	[smem:$0x7F0] =	sst s15  }
0x3e: {  	s9 =	sshll.u32 s26, $0x4;
	s26 =	sadd.s32 $0x26D00, s2;
	[smem:$0x7F5] =	sst s19  }
0x3f: {  	s8 =	simm.s32 $0x1;
	s6 =	sadd.s32 s16, s2;
	[smem:$0x7FB] =	sst s26  }
0x40: {  	s12 =	simm.s32 $0x1F0B0;
	s11 =	sadd.s32 s9, s2;
	[smem:$0x7E2] =	sst s6  }
0x41: {  	s23 =	simm.s32 $0x8;
	s16 =	sadd.s32 $0x12A800, s1;
	[smem:$0x7EA] =	sst s11  }
0x42: {  	s17 =	simm.s32 $0xA;
	s6 =	sadd.s32 s18, s1;
	[smem:$0x7F1] =	sst s16  }
0x43: {  	s9 =	simm.s32 $0x4;
	s18 =	sadd.s32 $0x12D800, s1;
	[smem:$0x7E3] =	sst s6  }
0x44: {  	s6 =	sshll.u32 s20, $0x4;
	[smem:$0x7F4] =	sst s18;
	s20 =	sadd.s32 $0x25B00, s2  }
0x45: {  	s15 =	simm.s32 $0x5;
	s6 =	sadd.s32 s6, s2;
	[smem:$0x7F6] =	sst s20  }
0x46: {  	s26 =	simm.s32 $0xC;
	[smem:$0x7E6] =	sst s6;
	s6 =	sadd.s32 s24, s1  }
0x47: {  	s16 =	simm.s32 $0x7;
	s24 =	sadd.s32 $0x26700, s2;
	[smem:$0x7E7] =	sst s6  }
0x48: {  	s18 =	simm.s32 $0x3;
	s6 =	sadd.s32 s25, s2;
	[smem:$0x7F9] =	sst s24  }
0x49: {  	s25 =	sadd.s32 $0x136800, s1;
	s24 =	simm.s32 $0xB;
	[smem:$0x7E8] =	sst s6  }
0x4a: {  	s6 =	sadd.s32 s10, s1;
	[smem:$0x7FA] =	sst s25;
	s10 =	simm.s32 $0x60  }
0x4b: {  	v0 =	vimm.f32 $0.0e+00;
	v1 =	vimm.f32 $1.000000000e+00;
	s25 =	simm.s32 $0x9;
	[smem:$0x7E9] =	sst s6;
	s6 =	simm.s32 $0x15F90  }
.LBB2_1:
0x4c: {  	s11 =	rddreg [dreg:$0x12]  }
0x4d: {  	[tilespmem:s31], [sflag:$0x2] =	stream.linear.gather [hbm4b:s11+s4], $0x3000, $0x38;
	[tilespmem:$0x1FCC0] =	vst v63  }
0x4e: {  	s13 =	rddreg [dreg:$0xa]  }
0x4f: {  	[tilespmem:s0], [sflag:$0x5] =	stream.linear.gather [hbm4b:s13+s4], $0x60, $0x38;
	[tilespmem:$0x1FCC0] =	vst v63  }
0x50: {  	s19 =	rddreg [dreg:$0x13]  }
0x51: {  	[tilespmem:s3], [sflag:$0x3] =	stream.linear.gather [hbm4b:s19+s4], $0x3000, $0x38;
	[tilespmem:$0x1FCC0] =	vst v63  }
0x52: {  	s20 =	rddreg [dreg:$0xd];
	s11 =	simm.s32 $0x15FD0  }
0x53: {  	[tilespmem:s5], [sflag:$0x6] =	stream.linear.gather [hbm4b:s20+s4], $0x60, $0x38;
	[tilespmem:$0x1FCC0] =	vst v63  }
0x54: {  	[tilespmem:s11+$0x20] =	vst v0  }
0x55: {  	[tilespmem:s11+$0x10] =	vst v0  }
0x56: {  	[tilespmem:s11+$0x0] =	vst v0  }
0x57: {  	[tilespmem:s11+$0xFFFFFFF0] =	vst v0  }
0x58: {  	[tilespmem:s11+$0xFFFFFFE0] =	vst v0  }
0x59: {  	[tilespmem:s11+$0xFFFFFFD0] =	vst v0  }
0x5a: {  	[tilespmem:s11+$0xFFFFFFC0] =	vst v0  }
0x5b: {  	s19 =	simm.s32 $0x40;
	s20 =	simm.s32 $0x0;
	[tilespmem:s11+$0x30] =	vst v0  }
.LBB2_2:
0x5c: {  	p1 =	sne.s32 s19, $0x17C0;
	[tilespmem:s20+$0x1F0B0] =	vst v1  }
0x5d: {  	s11 =	sadd.s32 $0x80, s11;
	[tilespmem:s20+$0x1F6B0] =	vst v0  }
0x5e: {  	[tilespmem:s11+$0x20] =	vst v0  }
0x5f: {  	[tilespmem:s11+$0x10] =	vst v0  }
0x60: {  	[tilespmem:s11+$0x0] =	vst v0  }
.Ltmp0:
0x61: {  	[tilespmem:s11+$0xFFFFFFF0] =	vst v0;
	(pc) =	sbr.rel @p1 .LBB2_2-.Ltmp0, $4  }
0x62: {  	[tilespmem:s11+$0xFFFFFFE0] =	vst v0  }
0x63: {  	[tilespmem:s11+$0xFFFFFFD0] =	vst v0  }
0x64: {  	[tilespmem:s11+$0xFFFFFFC0] =	vst v0  }
0x65: {  	s20 =	sshra.s32 s19, $0x2;
	s19 =	sadd.s32 $0x40, s19;
	[tilespmem:s11+$0x30] =	vst v0  }
0x66: {  	[tilespmem:s20+$0x1F0B0] =	vst v1  }
0x67: {  	[tilespmem:s20+$0x1F6B0] =	vst v0;
	s11 =	simm.s32 @p0 $0x15F90  }
0x68: {  	[spmem:s21] =	stream.linear.scatter @p0 [tilespmem:s11], [sflag:$0xD], $0x3000, $0x38;
	[tilespmem:$0x1FCC0] =	vst v63  }
0x69: {  	s19 =	simm.s32 @p0 $0x1F6B0;
	s13 =	sld [smem:$0x7EF]  }
0x6a: {  	[spmem:s29] =	stream.linear.scatter @p0 [tilespmem:s19], [sflag:$0xD], $0x600, $0x38;
	[tilespmem:$0x1FCC0] =	vst v63  }
0x6b: {  	_ = 	snop  }
0x6c: {  	[spmem:s13] =	stream.linear.scatter @p0 [tilespmem:s11], [sflag:$0xD], $0x3000, $0x38;
	[tilespmem:$0x1FCC0] =	vst v63  }
0x6d: {  	s13 =	sld [smem:$0x7F0];
	_ =	sdelay $0x2  }
0x6e: {  	[spmem:s13] =	stream.linear.scatter @p0 [tilespmem:s19], [sflag:$0xD], $0x600, $0x38;
	[tilespmem:$0x1FCC0] =	vst v63  }
0x6f: {  	s13 =	sld [smem:$0x7F1];
	_ =	sdelay $0x2  }
0x70: {  	[spmem:s13] =	stream.linear.scatter @p0 [tilespmem:s11], [sflag:$0xD], $0x3000, $0x38;
	[tilespmem:$0x1FCC0] =	vst v63  }
0x71: {  	s13 =	sld [smem:$0x7F2];
	_ =	sdelay $0x2  }
0x72: {  	[spmem:s13] =	stream.linear.scatter @p0 [tilespmem:s19], [sflag:$0xD], $0x600, $0x38;
	[tilespmem:$0x1FCC0] =	vst v63  }
0x73: {  	s13 =	sld [smem:$0x7F4];
	_ =	sdelay $0x2  }
0x74: {  	[spmem:s13] =	stream.linear.scatter @p0 [tilespmem:s11], [sflag:$0xD], $0x3000, $0x38;
	[tilespmem:$0x1FCC0] =	vst v63  }
0x75: {  	s13 =	sld [smem:$0x7F6];
	_ =	sdelay $0x2  }
0x76: {  	[spmem:s13] =	stream.linear.scatter @p0 [tilespmem:s19], [sflag:$0xD], $0x600, $0x38;
	[tilespmem:$0x1FCC0] =	vst v63  }
0x77: {  	s13 =	sld [smem:$0x7F5];
	_ =	sdelay $0x2  }
0x78: {  	[spmem:s13] =	stream.linear.scatter @p0 [tilespmem:s11], [sflag:$0xD], $0x3000, $0x38;
	[tilespmem:$0x1FCC0] =	vst v63  }
0x79: {  	s13 =	sld [smem:$0x7F7];
	_ =	sdelay $0x2  }
0x7a: {  	[spmem:s13] =	stream.linear.scatter @p0 [tilespmem:s19], [sflag:$0xD], $0x600, $0x38;
	[tilespmem:$0x1FCC0] =	vst v63  }
0x7b: {  	s13 =	sld [smem:$0x7F8];
	_ =	sdelay $0x2  }
0x7c: {  	[spmem:s13] =	stream.linear.scatter @p0 [tilespmem:s11], [sflag:$0xD], $0x3000, $0x38;
	[tilespmem:$0x1FCC0] =	vst v63  }
0x7d: {  	s13 =	sld [smem:$0x7F9];
	_ =	sdelay $0x2  }
0x7e: {  	[spmem:s13] =	stream.linear.scatter @p0 [tilespmem:s19], [sflag:$0xD], $0x600, $0x38;
	[tilespmem:$0x1FCC0] =	vst v63  }
0x7f: {  	s13 =	sld [smem:$0x7FA];
	_ =	sdelay $0x2  }
0x80: {  	[spmem:s13] =	stream.linear.scatter @p0 [tilespmem:s11], [sflag:$0xD], $0x2000, $0x38;
	[tilespmem:$0x1FCC0] =	vst v63  }
0x81: {  	s11 =	sld [smem:$0x7FB];
	_ =	sdelay $0x2  }
0x82: {  	[spmem:s11] =	stream.linear.scatter @p0 [tilespmem:s19], [sflag:$0xD], $0x400, $0x38;
	[tilespmem:$0x1FCC0] =	vst v63  }
0x83: {  	s11 =	simm.s32 @p0 $0xD  }
0x84: {  	_ =	swait.ge @p0 [sflag:s11], $0x3000  }
0x85: {  	[sflag:s11] =	ssyncset.done @p0 $0x0  }
0x86: {  	[sflag:s11] =	ssyncadd.s32 @p0 $0xFFFFD000  }
0x87: {  	_ =	swait.ge @p0 [sflag:s11], $0x600  }
0x88: {  	[sflag:s11] =	ssyncset.done @p0 $0x0  }
0x89: {  	[sflag:s11] =	ssyncadd.s32 @p0 $0xFFFFFA00  }
0x8a: {  	_ =	swait.ge @p0 [sflag:s11], $0x3000  }
0x8b: {  	[sflag:s11] =	ssyncset.done @p0 $0x0  }
0x8c: {  	[sflag:s11] =	ssyncadd.s32 @p0 $0xFFFFD000  }
0x8d: {  	_ =	swait.ge @p0 [sflag:s11], $0x600  }
0x8e: {  	[sflag:s11] =	ssyncset.done @p0 $0x0  }
0x8f: {  	[sflag:s11] =	ssyncadd.s32 @p0 $0xFFFFFA00  }
0x90: {  	_ =	swait.ge @p0 [sflag:s11], $0x3000  }
0x91: {  	[sflag:s11] =	ssyncset.done @p0 $0x0  }
0x92: {  	[sflag:s11] =	ssyncadd.s32 @p0 $0xFFFFD000  }
0x93: {  	_ =	swait.ge @p0 [sflag:s11], $0x600  }
0x94: {  	[sflag:s11] =	ssyncset.done @p0 $0x0  }
0x95: {  	[sflag:s11] =	ssyncadd.s32 @p0 $0xFFFFFA00  }
0x96: {  	_ =	swait.ge @p0 [sflag:s11], $0x3000  }
0x97: {  	[sflag:s11] =	ssyncset.done @p0 $0x0  }
0x98: {  	[sflag:s11] =	ssyncadd.s32 @p0 $0xFFFFD000  }
0x99: {  	_ =	swait.ge @p0 [sflag:s11], $0x600  }
0x9a: {  	[sflag:s11] =	ssyncset.done @p0 $0x0  }
0x9b: {  	[sflag:s11] =	ssyncadd.s32 @p0 $0xFFFFFA00  }
0x9c: {  	_ =	swait.ge @p0 [sflag:s11], $0x3000  }
0x9d: {  	[sflag:s11] =	ssyncset.done @p0 $0x0  }
0x9e: {  	[sflag:s11] =	ssyncadd.s32 @p0 $0xFFFFD000  }
0x9f: {  	_ =	swait.ge @p0 [sflag:s11], $0x600  }
0xa0: {  	[sflag:s11] =	ssyncset.done @p0 $0x0  }
0xa1: {  	[sflag:s11] =	ssyncadd.s32 @p0 $0xFFFFFA00  }
0xa2: {  	_ =	swait.ge @p0 [sflag:s11], $0x3000  }
0xa3: {  	[sflag:s11] =	ssyncset.done @p0 $0x0  }
0xa4: {  	[sflag:s11] =	ssyncadd.s32 @p0 $0xFFFFD000  }
0xa5: {  	_ =	swait.ge @p0 [sflag:s11], $0x600  }
0xa6: {  	[sflag:s11] =	ssyncset.done @p0 $0x0  }
0xa7: {  	[sflag:s11] =	ssyncadd.s32 @p0 $0xFFFFFA00  }
0xa8: {  	_ =	swait.ge @p0 [sflag:s11], $0x2000  }
0xa9: {  	[sflag:s11] =	ssyncset.done @p0 $0x0  }
0xaa: {  	[sflag:s11] =	ssyncadd.s32 @p0 $0xFFFFE000  }
0xab: {  	_ =	swait.ge @p0 [sflag:s11], $0x400  }
0xac: {  	[sflag:s11] =	ssyncset.done @p0 $0x0  }
0xad: {  	s13 =	rddreg [dreg:$0x1b];
	[sflag:s11] =	ssyncadd.s32 @p0 $0xFFFFFC00;
	s11 =	simm.s32 @!p0 $0x15F90  }
0xae: {  	[spmem:s13] =	stream.linear.scatter @!p0 [tilespmem:s11], [sflag:$0xD], $0x3000, $0x38;
	[tilespmem:$0x1FCC0] =	vst v63  }
0xaf: {  	s19 =	simm.s32 @!p0 $0x1F6B0;
	s13 =	rddreg [dreg:$0x1c]  }
0xb0: {  	[spmem:s13] =	stream.linear.scatter @!p0 [tilespmem:s19], [sflag:$0xD], $0x600, $0x38;
	[tilespmem:$0x1FCC0] =	vst v63  }
0xb1: {  	s13 =	rddreg [dreg:$0x1d]  }
0xb2: {  	[spmem:s13] =	stream.linear.scatter @!p0 [tilespmem:s11], [sflag:$0xD], $0x3000, $0x38;
	[tilespmem:$0x1FCC0] =	vst v63  }
0xb3: {  	s13 =	rddreg [dreg:$0x1e]  }
0xb4: {  	[spmem:s13] =	stream.linear.scatter @!p0 [tilespmem:s19], [sflag:$0xD], $0x600, $0x38;
	[tilespmem:$0x1FCC0] =	vst v63  }
0xb5: {  	s13 =	rddreg [dreg:$0x1f]  }
0xb6: {  	[spmem:s13] =	stream.linear.scatter @!p0 [tilespmem:s11], [sflag:$0xD], $0x3000, $0x38;
	[tilespmem:$0x1FCC0] =	vst v63  }
0xb7: {  	s13 =	sld [smem:$0x7E2];
	_ =	sdelay $0x2  }
0xb8: {  	[spmem:s13] =	stream.linear.scatter @!p0 [tilespmem:s19], [sflag:$0xD], $0x600, $0x38;
	[tilespmem:$0x1FCC0] =	vst v63  }
0xb9: {  	s13 =	sld [smem:$0x7E3];
	_ =	sdelay $0x2  }
0xba: {  	[spmem:s13] =	stream.linear.scatter @!p0 [tilespmem:s11], [sflag:$0xD], $0x3000, $0x38;
	[tilespmem:$0x1FCC0] =	vst v63  }
0xbb: {  	s13 =	sld [smem:$0x7E4];
	_ =	sdelay $0x2  }
0xbc: {  	[spmem:s13] =	stream.linear.scatter @!p0 [tilespmem:s19], [sflag:$0xD], $0x600, $0x38;
	[tilespmem:$0x1FCC0] =	vst v63  }
0xbd: {  	s13 =	sld [smem:$0x7E5];
	_ =	sdelay $0x2  }
0xbe: {  	[spmem:s13] =	stream.linear.scatter @!p0 [tilespmem:s11], [sflag:$0xD], $0x3000, $0x38;
	[tilespmem:$0x1FCC0] =	vst v63  }
0xbf: {  	s13 =	sld [smem:$0x7E6];
	_ =	sdelay $0x2  }
0xc0: {  	[spmem:s13] =	stream.linear.scatter @!p0 [tilespmem:s19], [sflag:$0xD], $0x600, $0x38;
	[tilespmem:$0x1FCC0] =	vst v63  }
0xc1: {  	s13 =	sld [smem:$0x7E7];
	_ =	sdelay $0x2  }
0xc2: {  	[spmem:s13] =	stream.linear.scatter @!p0 [tilespmem:s11], [sflag:$0xD], $0x3000, $0x38;
	[tilespmem:$0x1FCC0] =	vst v63  }
0xc3: {  	s13 =	sld [smem:$0x7E8];
	_ =	sdelay $0x2  }
0xc4: {  	[spmem:s13] =	stream.linear.scatter @!p0 [tilespmem:s19], [sflag:$0xD], $0x600, $0x38;
	[tilespmem:$0x1FCC0] =	vst v63  }
0xc5: {  	s13 =	sld [smem:$0x7E9];
	_ =	sdelay $0x2  }
0xc6: {  	[spmem:s13] =	stream.linear.scatter @!p0 [tilespmem:s11], [sflag:$0xD], $0x1800, $0x38;
	[tilespmem:$0x1FCC0] =	vst v63  }
0xc7: {  	s11 =	sld [smem:$0x7EA];
	_ =	sdelay $0x2  }
0xc8: {  	[spmem:s11] =	stream.linear.scatter @!p0 [tilespmem:s19], [sflag:$0xD], $0x300, $0x38;
	[tilespmem:$0x1FCC0] =	vst v63  }
0xc9: {  	s11 =	simm.s32 @!p0 $0xD  }
0xca: {  	_ =	swait.ge @!p0 [sflag:s11], $0x3000  }
0xcb: {  	[sflag:s11] =	ssyncset.done @!p0 $0x0  }
0xcc: {  	[sflag:s11] =	ssyncadd.s32 @!p0 $0xFFFFD000  }
0xcd: {  	_ =	swait.ge @!p0 [sflag:s11], $0x600  }
0xce: {  	[sflag:s11] =	ssyncset.done @!p0 $0x0  }
0xcf: {  	[sflag:s11] =	ssyncadd.s32 @!p0 $0xFFFFFA00  }
0xd0: {  	_ =	swait.ge @!p0 [sflag:s11], $0x3000  }
0xd1: {  	[sflag:s11] =	ssyncset.done @!p0 $0x0  }
0xd2: {  	[sflag:s11] =	ssyncadd.s32 @!p0 $0xFFFFD000  }
0xd3: {  	_ =	swait.ge @!p0 [sflag:s11], $0x600  }
0xd4: {  	[sflag:s11] =	ssyncset.done @!p0 $0x0  }
0xd5: {  	[sflag:s11] =	ssyncadd.s32 @!p0 $0xFFFFFA00  }
0xd6: {  	_ =	swait.ge @!p0 [sflag:s11], $0x3000  }
0xd7: {  	[sflag:s11] =	ssyncset.done @!p0 $0x0  }
0xd8: {  	[sflag:s11] =	ssyncadd.s32 @!p0 $0xFFFFD000  }
0xd9: {  	_ =	swait.ge @!p0 [sflag:s11], $0x600  }
0xda: {  	[sflag:s11] =	ssyncset.done @!p0 $0x0  }
0xdb: {  	[sflag:s11] =	ssyncadd.s32 @!p0 $0xFFFFFA00  }
0xdc: {  	_ =	swait.ge @!p0 [sflag:s11], $0x3000  }
0xdd: {  	[sflag:s11] =	ssyncset.done @!p0 $0x0  }
0xde: {  	[sflag:s11] =	ssyncadd.s32 @!p0 $0xFFFFD000  }
0xdf: {  	_ =	swait.ge @!p0 [sflag:s11], $0x600  }
0xe0: {  	[sflag:s11] =	ssyncset.done @!p0 $0x0  }
0xe1: {  	[sflag:s11] =	ssyncadd.s32 @!p0 $0xFFFFFA00  }
0xe2: {  	_ =	swait.ge @!p0 [sflag:s11], $0x3000  }
0xe3: {  	[sflag:s11] =	ssyncset.done @!p0 $0x0  }
0xe4: {  	[sflag:s11] =	ssyncadd.s32 @!p0 $0xFFFFD000  }
0xe5: {  	_ =	swait.ge @!p0 [sflag:s11], $0x600  }
0xe6: {  	[sflag:s11] =	ssyncset.done @!p0 $0x0  }
0xe7: {  	[sflag:s11] =	ssyncadd.s32 @!p0 $0xFFFFFA00  }
0xe8: {  	_ =	swait.ge @!p0 [sflag:s11], $0x3000  }
0xe9: {  	[sflag:s11] =	ssyncset.done @!p0 $0x0  }
0xea: {  	[sflag:s11] =	ssyncadd.s32 @!p0 $0xFFFFD000  }
0xeb: {  	_ =	swait.ge @!p0 [sflag:s11], $0x600  }
0xec: {  	[sflag:s11] =	ssyncset.done @!p0 $0x0  }
0xed: {  	[sflag:s11] =	ssyncadd.s32 @!p0 $0xFFFFFA00  }
0xee: {  	_ =	swait.ge @!p0 [sflag:s11], $0x1800  }
0xef: {  	[sflag:s11] =	ssyncset.done @!p0 $0x0  }
0xf0: {  	[sflag:s11] =	ssyncadd.s32 @!p0 $0xFFFFE800  }
0xf1: {  	_ =	swait.ge @!p0 [sflag:s11], $0x300  }
0xf2: {  	[sflag:s11] =	ssyncset.done @!p0 $0x0  }
0xf3: {  	s19 =	rddreg [dreg:$0x14];
	[sflag:s11] =	ssyncadd.s32 @!p0 $0xFFFFFD00;
	s11 =	simm.s32 $0x0  }
0xf4: {  	[tilespmem:s6], [sflag:$0x1] =	stream.linear.gather [hbm4b:s19+s11], $0x3000, $0x38;
	[tilespmem:$0x1FCC0] =	vst v63  }
0xf5: {  	s20 =	rddreg [dreg:$0xe]  }
0xf6: {  	[tilespmem:s7], [sflag:$0x4] =	stream.linear.gather [hbm4b:s20+s11], $0x60, $0x38;
	[tilespmem:$0x1FCC0] =	vst v63  }
0xf7: {  	[bflag:$0x0] =	sbarrier.arrive $0xFFFF  }
0xf8: {  	_ =	swait.ge [sflag:s8], $0x3000  }
0xf9: {  	[sflag:s8] =	ssyncset.done $0x0  }
0xfa: {  	[sflag:s8] =	ssyncadd.s32 $0xFFFFD000  }
0xfb: {  	_ =	swait.ge [sflag:s9], $0x60  }
0xfc: {  	[sflag:s9] =	ssyncset.done $0x0  }
0xfd: {  	[sflag:s9] =	ssyncadd.s32 $0xFFFFFFA0  }
0xfe: {  	[spmem:s1] =	stream.indirect.scatter.add.f32 [tilespmem:s6], [sflag:$0x7], $0x80, s7, s10, $0xb8;
	[tilespmem:$0x1FCC0] =	vst v63  }
0xff: {  	_ = 	snop  }
0x100: {  	[spmem:s2] =	stream.indirect.scatter.add.f32 [tilespmem:s12], [sflag:$0xA], $0x10, s7, s10, $0xb8;
	[tilespmem:$0x1FCC0] =	vst v63  }
0x101: {  	_ =	swait.ge [sflag:s14], $0x3000  }
0x102: {  	[sflag:s14] =	ssyncset.done $0x0  }
0x103: {  	[sflag:s14] =	ssyncadd.s32 $0xFFFFD000  }
0x104: {  	_ =	swait.ge [sflag:s15], $0x60  }
0x105: {  	[sflag:s15] =	ssyncset.done $0x0  }
0x106: {  	[sflag:s15] =	ssyncadd.s32 $0xFFFFFFA0  }
0x107: {  	[spmem:s1] =	stream.indirect.scatter.add.f32 [tilespmem:s31], [sflag:$0x8], $0x80, s0, s10, $0xb8;
	[tilespmem:$0x1FCC0] =	vst v63  }
0x108: {  	_ = 	snop  }
0x109: {  	[spmem:s2] =	stream.indirect.scatter.add.f32 [tilespmem:s12], [sflag:$0xB], $0x10, s0, s10, $0xb8;
	[tilespmem:$0x1FCC0] =	vst v63  }
0x10a: {  	_ =	swait.ge [sflag:s16], $0x3000  }
0x10b: {  	[sflag:s16] =	ssyncset.done $0x0  }
0x10c: {  	[sflag:s16] =	ssyncadd.s32 $0xFFFFD000  }
0x10d: {  	_ =	swait.ge [sflag:s17], $0x600  }
0x10e: {  	[sflag:s17] =	ssyncset.done $0x0  }
0x10f: {  	s21 =	rddreg [dreg:$0x15];
	[sflag:s17] =	ssyncadd.s32 $0xFFFFFA00  }
0x110: {  	[tilespmem:s6], [sflag:$0x1] =	stream.linear.gather [hbm4b:s21+s11], $0x3000, $0x38;
	[tilespmem:$0x1FCC0] =	vst v63  }
0x111: {  	s19 =	rddreg [dreg:$0xf]  }
0x112: {  	[tilespmem:s7], [sflag:$0x4] =	stream.linear.gather [hbm4b:s19+s11], $0x60, $0x38;
	[tilespmem:$0x1FCC0] =	vst v63  }
0x113: {  	_ =	swait.ge [sflag:s18], $0x3000  }
0x114: {  	[sflag:s18] =	ssyncset.done $0x0  }
0x115: {  	[sflag:s18] =	ssyncadd.s32 $0xFFFFD000  }
0x116: {  	_ =	swait.ge [sflag:s22], $0x60  }
0x117: {  	[sflag:s22] =	ssyncset.done $0x0  }
0x118: {  	[sflag:s22] =	ssyncadd.s32 $0xFFFFFFA0  }
0x119: {  	[spmem:s1] =	stream.indirect.scatter.add.f32 [tilespmem:s3], [sflag:$0x9], $0x80, s5, s10, $0xb8;
	[tilespmem:$0x1FCC0] =	vst v63  }
0x11a: {  	_ = 	snop  }
0x11b: {  	[spmem:s2] =	stream.indirect.scatter.add.f32 [tilespmem:s12], [sflag:$0xC], $0x10, s5, s10, $0xb8;
	[tilespmem:$0x1FCC0] =	vst v63  }
0x11c: {  	_ =	swait.ge [sflag:s23], $0x3000  }
0x11d: {  	[sflag:s23] =	ssyncset.done $0x0  }
0x11e: {  	[sflag:s23] =	ssyncadd.s32 $0xFFFFD000  }
0x11f: {  	_ =	swait.ge [sflag:s24], $0x600  }
0x120: {  	[sflag:s24] =	ssyncset.done $0x0  }
0x121: {  	s20 =	rddreg [dreg:$0x16];
	[sflag:s24] =	ssyncadd.s32 $0xFFFFFA00  }
0x122: {  	[tilespmem:s31], [sflag:$0x2] =	stream.linear.gather [hbm4b:s20+s11], $0x3000, $0x38;
	[tilespmem:$0x1FCC0] =	vst v63  }
0x123: {  	s21 =	rddreg [dreg:$0x10]  }
0x124: {  	[tilespmem:s0], [sflag:$0x5] =	stream.linear.gather [hbm4b:s21+s11], $0x60, $0x38;
	[tilespmem:$0x1FCC0] =	vst v63  }
0x125: {  	_ =	swait.ge [sflag:s8], $0x3000  }
0x126: {  	[sflag:s8] =	ssyncset.done $0x0  }
0x127: {  	[sflag:s8] =	ssyncadd.s32 $0xFFFFD000  }
0x128: {  	_ =	swait.ge [sflag:s9], $0x60  }
0x129: {  	[sflag:s9] =	ssyncset.done $0x0  }
0x12a: {  	[sflag:s9] =	ssyncadd.s32 $0xFFFFFFA0  }
0x12b: {  	[spmem:s1] =	stream.indirect.scatter.add.f32 [tilespmem:s6], [sflag:$0x7], $0x80, s7, s10, $0xb8;
	[tilespmem:$0x1FCC0] =	vst v63  }
0x12c: {  	_ = 	snop  }
0x12d: {  	[spmem:s2] =	stream.indirect.scatter.add.f32 [tilespmem:s12], [sflag:$0xA], $0x10, s7, s10, $0xb8;
	[tilespmem:$0x1FCC0] =	vst v63  }
0x12e: {  	_ =	swait.ge [sflag:s25], $0x3000  }
0x12f: {  	[sflag:s25] =	ssyncset.done $0x0  }
0x130: {  	[sflag:s25] =	ssyncadd.s32 $0xFFFFD000  }
0x131: {  	_ =	swait.ge [sflag:s26], $0x600  }
0x132: {  	[sflag:s26] =	ssyncset.done $0x0;
	s13 =	rddreg [dreg:$0x9]  }
0x133: {  	s19 =	rddreg [dreg:$0x1a];
	[sflag:s26] =	ssyncadd.s32 $0xFFFFFA00  }
0x134: {  	[tilespmem:s3], [sflag:$0x3] =	stream.linear.gather [hbm4b:s19+s4], $0x3000, $0x38;
	[tilespmem:$0x1FCC0] =	vst v63  }
0x135: {  	s11 =	sadd.s32 $0x0, s13  }
0x136: {  	[tilespmem:s5], [sflag:$0x6] =	stream.linear.gather [hbm4b:s11+s4], $0x60, $0x38;
	[tilespmem:$0x1FCC0] =	vst v63  }
0x137: {  	_ =	swait.ge [sflag:s14], $0x3000  }
0x138: {  	[sflag:s14] =	ssyncset.done $0x0  }
0x139: {  	[sflag:s14] =	ssyncadd.s32 $0xFFFFD000  }
0x13a: {  	_ =	swait.ge [sflag:s15], $0x60  }
0x13b: {  	[sflag:s15] =	ssyncset.done $0x0  }
0x13c: {  	[sflag:s15] =	ssyncadd.s32 $0xFFFFFFA0  }
0x13d: {  	[spmem:s1] =	stream.indirect.scatter.add.f32 [tilespmem:s31], [sflag:$0x8], $0x80, s0, s10, $0xb8;
	[tilespmem:$0x1FCC0] =	vst v63  }
0x13e: {  	_ = 	snop  }
0x13f: {  	[spmem:s2] =	stream.indirect.scatter.add.f32 [tilespmem:s12], [sflag:$0xB], $0x10, s0, s10, $0xb8;
	[tilespmem:$0x1FCC0] =	vst v63  }
0x140: {  	_ =	swait.ge [sflag:s16], $0x3000  }
0x141: {  	[sflag:s16] =	ssyncset.done $0x0  }
0x142: {  	[sflag:s16] =	ssyncadd.s32 $0xFFFFD000  }
0x143: {  	_ =	swait.ge [sflag:s17], $0x600  }
0x144: {  	[sflag:s17] =	ssyncset.done $0x0;
	s20 =	rddreg [dreg:$0x8]  }
0x145: {  	s21 =	rddreg [dreg:$0x19];
	[sflag:s17] =	ssyncadd.s32 $0xFFFFFA00  }
0x146: {  	[tilespmem:s6], [sflag:$0x1] =	stream.linear.gather [hbm4b:s21+s4], $0x3000, $0x38;
	[tilespmem:$0x1FCC0] =	vst v63  }
0x147: {  	s11 =	sadd.s32 $0x0, s20  }
0x148: {  	[tilespmem:s7], [sflag:$0x4] =	stream.linear.gather [hbm4b:s11+s4], $0x60, $0x38;
	[tilespmem:$0x1FCC0] =	vst v63  }
0x149: {  	_ =	swait.ge [sflag:s18], $0x3000  }
0x14a: {  	[sflag:s18] =	ssyncset.done $0x0  }
0x14b: {  	[sflag:s18] =	ssyncadd.s32 $0xFFFFD000  }
0x14c: {  	_ =	swait.ge [sflag:s22], $0x60  }
0x14d: {  	[sflag:s22] =	ssyncset.done $0x0  }
0x14e: {  	[sflag:s22] =	ssyncadd.s32 $0xFFFFFFA0  }
0x14f: {  	[spmem:s1] =	stream.indirect.scatter.add.f32 [tilespmem:s3], [sflag:$0x9], $0x80, s5, s10, $0xb8;
	[tilespmem:$0x1FCC0] =	vst v63  }
0x150: {  	_ = 	snop  }
0x151: {  	[spmem:s2] =	stream.indirect.scatter.add.f32 [tilespmem:s12], [sflag:$0xC], $0x10, s5, s10, $0xb8;
	[tilespmem:$0x1FCC0] =	vst v63  }
0x152: {  	_ =	swait.ge [sflag:s23], $0x3000  }
0x153: {  	[sflag:s23] =	ssyncset.done $0x0  }
0x154: {  	[sflag:s23] =	ssyncadd.s32 $0xFFFFD000  }
0x155: {  	_ =	swait.ge [sflag:s24], $0x600  }
0x156: {  	s29 =	simm.s32 $0x24;
	[sflag:s24] =	ssyncset.done $0x0;
	s13 =	rddreg [dreg:$0x7]  }
0x157: {  	s19 =	sadd.s32 $0x1200, s19;
	s20 =	rddreg [dreg:$0x18];
	[sflag:s24] =	ssyncadd.s32 $0xFFFFFA00  }
0x158: {  	[tilespmem:s31], [sflag:$0x2] =	stream.linear.gather [hbm4b:s20+s4], $0x3000, $0x38;
	[tilespmem:$0x1FCC0] =	vst v63  }
0x159: {  	s21 =	sadd.s32 $0x1200, s21;
	s11 =	sadd.s32 $0x0, s13;
	s20 =	sadd.s32 $0x1200, s20  }
.LBB2_4:
0x15a: {  	[tilespmem:s0], [sflag:$0x5] =	stream.linear.gather [hbm4b:s11+s4], $0x60, $0x38;
	[tilespmem:$0x1FCC0] =	vst v63  }
0x15b: {  	_ =	swait.ge [sflag:s8], $0x3000  }
0x15c: {  	[sflag:s8] =	ssyncset.done $0x0  }
0x15d: {  	[sflag:s8] =	ssyncadd.s32 $0xFFFFD000  }
0x15e: {  	_ =	swait.ge [sflag:s9], $0x60  }
0x15f: {  	[sflag:s9] =	ssyncset.done $0x0  }
0x160: {  	[sflag:s9] =	ssyncadd.s32 $0xFFFFFFA0  }
0x161: {  	[spmem:s1] =	stream.indirect.scatter.add.f32 [tilespmem:s6], [sflag:$0x7], $0x80, s7, s10, $0xb8;
	[tilespmem:$0x1FCC0] =	vst v63  }
0x162: {  	_ = 	snop  }
0x163: {  	[spmem:s2] =	stream.indirect.scatter.add.f32 [tilespmem:s12], [sflag:$0xA], $0x10, s7, s10, $0xb8;
	[tilespmem:$0x1FCC0] =	vst v63  }
0x164: {  	_ =	swait.ge [sflag:s25], $0x3000  }
0x165: {  	[sflag:s25] =	ssyncset.done $0x0  }
0x166: {  	[sflag:s25] =	ssyncadd.s32 $0xFFFFD000  }
0x167: {  	_ =	swait.ge [sflag:s26], $0x600  }
0x168: {  	[sflag:s26] =	ssyncset.done $0x0  }
0x169: {  	s11 =	smov.u32 s29;
	s13 =	rddreg [dreg:$0x9];
	[sflag:s26] =	ssyncadd.s32 $0xFFFFFA00  }
0x16a: {  	[tilespmem:s3], [sflag:$0x3] =	stream.linear.gather [hbm4b:s19+s4], $0x3000, $0x38;
	[tilespmem:$0x1FCC0] =	vst v63  }
0x16b: {  	s13 =	sadd.s32 s11, s13  }
0x16c: {  	[tilespmem:s5], [sflag:$0x6] =	stream.linear.gather [hbm4b:s13+s4], $0x60, $0x38;
	[tilespmem:$0x1FCC0] =	vst v63  }
0x16d: {  	_ =	swait.ge [sflag:s14], $0x3000  }
0x16e: {  	[sflag:s14] =	ssyncset.done $0x0  }
0x16f: {  	[sflag:s14] =	ssyncadd.s32 $0xFFFFD000  }
0x170: {  	_ =	swait.ge [sflag:s15], $0x60  }
0x171: {  	[sflag:s15] =	ssyncset.done $0x0  }
0x172: {  	[sflag:s15] =	ssyncadd.s32 $0xFFFFFFA0  }
0x173: {  	[spmem:s1] =	stream.indirect.scatter.add.f32 [tilespmem:s31], [sflag:$0x8], $0x80, s0, s10, $0xb8;
	[tilespmem:$0x1FCC0] =	vst v63  }
0x174: {  	_ = 	snop  }
0x175: {  	[spmem:s2] =	stream.indirect.scatter.add.f32 [tilespmem:s12], [sflag:$0xB], $0x10, s0, s10, $0xb8;
	[tilespmem:$0x1FCC0] =	vst v63  }
0x176: {  	_ =	swait.ge [sflag:s16], $0x3000  }
0x177: {  	[sflag:s16] =	ssyncset.done $0x0  }
0x178: {  	[sflag:s16] =	ssyncadd.s32 $0xFFFFD000  }
0x179: {  	_ =	swait.ge [sflag:s17], $0x600  }
0x17a: {  	[sflag:s17] =	ssyncset.done $0x0  }
0x17b: {  	s13 =	rddreg [dreg:$0x8];
	[sflag:s17] =	ssyncadd.s32 $0xFFFFFA00  }
0x17c: {  	[tilespmem:s6], [sflag:$0x1] =	stream.linear.gather [hbm4b:s21+s4], $0x3000, $0x38;
	[tilespmem:$0x1FCC0] =	vst v63  }
0x17d: {  	s13 =	sadd.s32 s11, s13  }
0x17e: {  	[tilespmem:s7], [sflag:$0x4] =	stream.linear.gather [hbm4b:s13+s4], $0x60, $0x38;
	[tilespmem:$0x1FCC0] =	vst v63  }
0x17f: {  	_ =	swait.ge [sflag:s18], $0x3000  }
0x180: {  	[sflag:s18] =	ssyncset.done $0x0  }
0x181: {  	[sflag:s18] =	ssyncadd.s32 $0xFFFFD000  }
0x182: {  	_ =	swait.ge [sflag:s22], $0x60  }
0x183: {  	[sflag:s22] =	ssyncset.done $0x0  }
0x184: {  	[sflag:s22] =	ssyncadd.s32 $0xFFFFFFA0  }
0x185: {  	[spmem:s1] =	stream.indirect.scatter.add.f32 [tilespmem:s3], [sflag:$0x9], $0x80, s5, s10, $0xb8;
	[tilespmem:$0x1FCC0] =	vst v63  }
0x186: {  	_ = 	snop  }
0x187: {  	[spmem:s2] =	stream.indirect.scatter.add.f32 [tilespmem:s12], [sflag:$0xC], $0x10, s5, s10, $0xb8;
	[tilespmem:$0x1FCC0] =	vst v63  }
0x188: {  	_ =	swait.ge [sflag:s23], $0x3000  }
0x189: {  	[sflag:s23] =	ssyncset.done $0x0  }
0x18a: {  	p1 =	sne.s32 s29, $0x480;
	[sflag:s23] =	ssyncadd.s32 $0xFFFFD000  }
.Ltmp1:
0x18b: {  	_ =	swait.ge [sflag:s24], $0x600;
	(pc) =	sbr.rel @p1 .LBB2_4-.Ltmp1, $4  }
0x18c: {  	s29 =	sadd.s32 $0x24, s29;
	[sflag:s24] =	ssyncset.done $0x0  }
0x18d: {  	s19 =	sadd.s32 $0x1200, s19;
	s13 =	rddreg [dreg:$0x7];
	[sflag:s24] =	ssyncadd.s32 $0xFFFFFA00  }
0x18e: {  	[tilespmem:s31], [sflag:$0x2] =	stream.linear.gather [hbm4b:s20+s4], $0x3000, $0x38;
	[tilespmem:$0x1FCC0] =	vst v63  }
0x18f: {  	s21 =	sadd.s32 $0x1200, s21;
	s11 =	sadd.s32 s11, s13;
	s20 =	sadd.s32 $0x1200, s20  }
0x190: {  	[tilespmem:s0], [sflag:$0x5] =	stream.linear.gather [hbm4b:s11+s4], $0x60, $0x38;
	[tilespmem:$0x1FCC0] =	vst v63  }
0x191: {  	_ =	swait.ge [sflag:s8], $0x3000  }
0x192: {  	[sflag:s8] =	ssyncset.done $0x0  }
0x193: {  	[sflag:s8] =	ssyncadd.s32 $0xFFFFD000  }
0x194: {  	_ =	swait.ge [sflag:s9], $0x60  }
0x195: {  	[sflag:s9] =	ssyncset.done $0x0  }
0x196: {  	[sflag:s9] =	ssyncadd.s32 $0xFFFFFFA0  }
0x197: {  	[spmem:s1] =	stream.indirect.scatter.add.f32 [tilespmem:s6], [sflag:$0x7], $0x80, s7, s10, $0xb8;
	[tilespmem:$0x1FCC0] =	vst v63  }
0x198: {  	_ = 	snop  }
0x199: {  	[spmem:s2] =	stream.indirect.scatter.add.f32 [tilespmem:s12], [sflag:$0xA], $0x10, s7, s10, $0xb8;
	[tilespmem:$0x1FCC0] =	vst v63  }
0x19a: {  	_ =	swait.ge [sflag:s25], $0x3000  }
0x19b: {  	[sflag:s25] =	ssyncset.done $0x0  }
0x19c: {  	[sflag:s25] =	ssyncadd.s32 $0xFFFFD000  }
0x19d: {  	_ =	swait.ge [sflag:s26], $0x600  }
0x19e: {  	[sflag:s26] =	ssyncset.done $0x0  }
0x19f: {  	[sflag:s26] =	ssyncadd.s32 $0xFFFFFA00  }
0x1a0: {  	_ =	swait.ge [sflag:s14], $0x3000  }
0x1a1: {  	[sflag:s14] =	ssyncset.done $0x0  }
0x1a2: {  	[sflag:s14] =	ssyncadd.s32 $0xFFFFD000  }
0x1a3: {  	_ =	swait.ge [sflag:s15], $0x60  }
0x1a4: {  	[sflag:s15] =	ssyncset.done $0x0  }
0x1a5: {  	[sflag:s15] =	ssyncadd.s32 $0xFFFFFFA0  }
0x1a6: {  	[spmem:s1] =	stream.indirect.scatter.add.f32 [tilespmem:s31], [sflag:$0x8], $0x80, s0, s10, $0xb8;
	[tilespmem:$0x1FCC0] =	vst v63  }
0x1a7: {  	_ = 	snop  }
0x1a8: {  	[spmem:s2] =	stream.indirect.scatter.add.f32 [tilespmem:s12], [sflag:$0xB], $0x10, s0, s10, $0xb8;
	[tilespmem:$0x1FCC0] =	vst v63  }
0x1a9: {  	_ =	swait.ge [sflag:s16], $0x3000  }
0x1aa: {  	[sflag:s16] =	ssyncset.done $0x0  }
0x1ab: {  	[sflag:s16] =	ssyncadd.s32 $0xFFFFD000  }
0x1ac: {  	_ =	swait.ge [sflag:s17], $0x600  }
0x1ad: {  	[sflag:s17] =	ssyncset.done $0x0  }
0x1ae: {  	[sflag:s17] =	ssyncadd.s32 $0xFFFFFA00  }
0x1af: {  	_ =	swait.ge [sflag:s23], $0x3000  }
0x1b0: {  	[sflag:s23] =	ssyncset.done $0x0  }
0x1b1: {  	[sflag:s23] =	ssyncadd.s32 $0xFFFFD000  }
0x1b2: {  	_ =	swait.ge [sflag:s24], $0x600  }
0x1b3: {  	[sflag:s24] =	ssyncset.done $0x0  }
0x1b4: {  	s20 =	rddreg [dreg:$0x17];
	[sflag:s24] =	ssyncadd.s32 $0xFFFFFA00  }
0x1b5: {  	[tilespmem:s6], [sflag:$0xE] =	stream.linear.gather [hbm4b:s20+s4], $0x800, $0x38;
	[tilespmem:$0x1FCC0] =	vst v63  }
0x1b6: {  	_ =	swait.ge [sflag:s28], $0x800  }
0x1b7: {  	[sflag:s28] =	ssyncset.done $0x0  }
0x1b8: {  	s13 =	simm.s32 $0x1FCB0;
	s21 =	rddreg [dreg:$0x11];
	[sflag:s28] =	ssyncadd.s32 $0xFFFFF800  }
0x1b9: {  	[tilespmem:s13], [sflag:$0xE] =	stream.linear.gather [hbm4b:s21+s4], $0x10, $0x38;
	[tilespmem:$0x1FCC0] =	vst v63  }
0x1ba: {  	_ =	swait.ge [sflag:s28], $0x10  }
0x1bb: {  	[sflag:s28] =	ssyncset.done $0x0  }
0x1bc: {  	s19 =	simm.s32 $0x10;
	[sflag:s28] =	ssyncadd.s32 $0xFFFFFFF0  }
0x1bd: {  	[spmem:s1] =	stream.indirect.scatter.add.f32 [tilespmem:s6], [sflag:$0xE], $0x80, s13, s19, $0xb8;
	[tilespmem:$0x1FCC0] =	vst v63  }
0x1be: {  	_ =	swait.ge [sflag:s28], $0x800  }
0x1bf: {  	[sflag:s28] =	ssyncset.done $0x0  }
0x1c0: {  	[sflag:s28] =	ssyncadd.s32 $0xFFFFF800  }
0x1c1: {  	[spmem:s2] =	stream.indirect.scatter.add.f32 [tilespmem:s12], [sflag:$0xE], $0x10, s13, s19, $0xb8;
	[tilespmem:$0x1FCC0] =	vst v63  }
0x1c2: {  	_ =	swait.ge [sflag:s28], $0x100  }
0x1c3: {  	[sflag:s28] =	ssyncset.done $0x0  }
0x1c4: {  	[sflag:s28] =	ssyncadd.s32 $0xFFFFFF00  }
0x1c5: {  	[bflag:$0x0] =	sbarrier.arrive $0xFFFF  }
0x1c6: {  	s21 =	sld [smem:$0x7FC]  }
0x1c7: {  	s19 =	sld [smem:$0x7EB];
	_ =	sdelay $0x1  }
0x1c8: {  	s13 =	simm.s32 @p0 $0x1FCD;
	s11 =	sshrl.u32 @p0 s21, $0x3  }
0x1c9: {  	[hbm:s19], [sflag:s13] =	dma.local @p0 [spmem:s11], $0x2800  }
0x1ca: {  	s29 =	sld [smem:$0x7FD]  }
0x1cb: {  	s19 =	sld [smem:$0x7EC];
	_ =	sdelay $0x1  }
0x1cc: {  	s11 =	sshrl.u32 @p0 s29, $0x3  }
0x1cd: {  	[hbm:s19], [sflag:s13] =	dma.local @p0 [spmem:s11], $0x500  }
0x1ce: {  	s11 =	simm.s32 @p0 $0xD  }
0x1cf: {  	_ =	swait.ge @p0 [sflag:s11], $0x2800  }
0x1d0: {  	[sflag:s11] =	ssyncset.done @p0 $0x0  }
0x1d1: {  	[sflag:s11] =	ssyncadd.s32 @p0 $0xFFFFD800  }
0x1d2: {  	_ =	swait.ge @p0 [sflag:s11], $0x500  }
0x1d3: {  	s13 =	stileid.u32;
	s19 =	sld [smem:$0x7EE]  }
0x1d4: {  	s13 =	sshll.u32 @!p0 s13, $0x6;
	[sflag:s11] =	ssyncset.done @p0 $0x0  }
0x1d5: {  	[sflag:s11] =	ssyncadd.s32 @p0 $0xFFFFFB00;
	s11 =	sor.u32 @!p0 $0x1C0D, s13;
	s13 =	rddreg [dreg:$0xb]  }
0x1d6: {  	[hbm:s13], [sflag:s11] =	dma.local @!p0 [spmem:s19], $0x2700  }
0x1d7: {  	s19 =	sld [smem:$0x7F3];
	_ =	sdelay $0x1  }
0x1d8: {  	s13 =	rddreg [dreg:$0xc]  }
0x1d9: {  	[hbm:s13], [sflag:s11] =	dma.local @!p0 [spmem:s19], $0x4E0  }
0x1da: {  	s11 =	simm.s32 @!p0 $0xD  }
0x1db: {  	_ =	swait.ge @!p0 [sflag:s11], $0x2700  }
0x1dc: {  	[sflag:s11] =	ssyncset.done @!p0 $0x0  }
0x1dd: {  	[sflag:s11] =	ssyncadd.s32 @!p0 $0xFFFFD900  }
0x1de: {  	_ =	swait.ge @!p0 [sflag:s11], $0x4E0  }
0x1df: {  	s20 =	sld [smem:$0x7ED];
	_ =	sdelay $0x1  }
0x1e0: {  	s30 =	sadd.s32 $0x1, s30  }
0x1e1: {  	p1 =	sne.s32 s30, s20  }
.Ltmp2:
0x1e2: {  	_ = 	snop;
	(pc) =	sbr.rel @p1 .LBB2_1-.Ltmp2, $3  }
0x1e3: {  	_ =	sdelay $0x1  }
0x1e4: {  	[sflag:s11] =	ssyncset.done @!p0 $0x0  }
0x1e5: {  	[sflag:s11] =	ssyncadd.s32 @!p0 $0xFFFFFB20  }
0x1e6: {  	_ =	sfence.sel $0x180000  }
0x1e7: {  	[bflag:$0x0] =	sbarrier.arrive $0xFFFF  }
0x1e8: {  	_ =	strace $0x90000047  }
0x1e9: {  	s0 =	stileid.u32;
	[bflag:$0x2] =	sbarrier.arrive $0xFFFF  }
0x1ea: {  	p0 =	sne.s32 s0, $0x0;
	s0 =	rddreg [dreg:$0x6]  }
0x1eb: {  	s0 =	sadd.s32 @!p0 $0x100000, s0  }
0x1ec: {  	[sflag:s0] =	ssyncadd.tile.s32 @!p0 $0x1;
	_ =	shalt  }
.Lfunc_end2:
_tile_overlayer_lowered:
.L_overlay_start_2:
0x1ed: {  	(tag) =	ssettag $0x2  }
0x1ee: {  	s0 =	rddreg [dreg:$0x0];
	s2 =	stileid.u32  }
0x1ef: {  	s1 =	rddreg [dreg:$0x1];
	p0 =	sne.s32 s2, $0x0  }
0x1f0: {  	s3 =	rddreg [dreg:$0x2];
	[bflag:$0x3] =	sbarrier.arrive $0xFFFF;
	s2 =	simm.s32 @!p0 $0x1C0E  }
0x1f1: {  	[timem:s3], [sflag:s2] =	dma.local @!p0 [hbm:s0], s1  }
0x1f2: {  	s0 =	simm.s32 @!p0 $0xE  }
0x1f3: {  	_ =	swait.ge @!p0 [sflag:s0], s1  }
0x1f4: {  	s1 =	ssub.s32 @!p0 $0x0, s1;
	[sflag:s0] =	ssyncset.done @!p0 $0x0  }
0x1f5: {  	[sflag:s0] =	ssyncadd.s32 @!p0 s1  }
0x1f6: {  	[bflag:$0x3] =	sbarrier.arrive $0xFFFF  }
0x1f7: {  	_ =	shalt  }

</sc_bundles>
